<compile_context>
chip_gen: v7x
topology: tpu7x:2x2x1
jax: 0.10.2.dev20260603
libtpu: 0.0.44.dev20260713+nightly
codegen_flags: <defaults>
</compile_context>

<pallas_src>
import functools

import jax
import jax.numpy as jnp
from jax import lax
from jax.experimental import pallas as pl
from jax.experimental.pallas import tpu as pltpu
from jax.experimental.pallas import tpu_sc as plsc

B = 10000
D = 32
K = 512
NCLS = 10
RB = 1000
G = B // RB

NGRP = B // 16
NBINS = NCLS * K
UNROLL = 25
ZUNROLL = 16


def _tc_body(x_ref, y_ref, c_ref, loss_ref, key_ref, loss_acc):
    i = pl.program_id(0)

    @pl.when(i == 0)
    def _init():
        loss_acc[0, 0] = 0.0

    xb = x_ref[...]
    c = c_ref[...]
    cn = jnp.sum(c * c, axis=1)
    dot = lax.dot_general(c, xb, (((1,), (1,)), ((), ())),
                          preferred_element_type=jnp.float32,
                          precision=lax.Precision.DEFAULT)
    dist = cn[:, None] - 2.0 * dot
    minv = jnp.min(dist, axis=0, keepdims=True)
    kidx = lax.broadcasted_iota(jnp.int32, (K, RB), 0)
    y_p = jnp.min(jnp.where(dist == minv, kidx, K), axis=0,
                  keepdims=True)
    key_ref[...] = (y_ref[...].reshape(1, RB) * K + y_p).reshape(1, 1, RB)
    loss_acc[0, 0] += jnp.sum(xb * xb) + jnp.sum(minv)

    @pl.when(i == G - 1)
    def _fini():
        loss_ref[...] = jnp.reshape(loss_acc[0, 0], (1, 1))


def _tc_call(x, y3, centers):
    return pl.pallas_call(
        _tc_body,
        grid=(G,),
        in_specs=[
            pl.BlockSpec((RB, D), lambda i: (i, 0)),
            pl.BlockSpec((1, 1, RB), lambda i: (i, 0, 0)),
            pl.BlockSpec((K, D), lambda i: (0, 0)),
        ],
        out_specs=[
            pl.BlockSpec((1, 1), lambda i: (0, 0)),
            pl.BlockSpec((1, 1, RB), lambda i: (i, 0, 0)),
        ],
        out_shape=[
            jax.ShapeDtypeStruct((1, 1), jnp.float32),
            jax.ShapeDtypeStruct((G, 1, RB), jnp.int32),
        ],
        scratch_shapes=[pltpu.SMEM((1, 1), jnp.float32)],
    )(x, y3, centers)


def _sc_body(key_hbm, out_hbm, key_v, hist_v, out_v, sem):
    w = lax.axis_index("s")

    @pl.when(w == 0)
    def _work():
        cp = pltpu.async_copy(key_hbm, key_v, sem)

        zeros16 = jnp.zeros((16,), jnp.int32)
        ones16 = jnp.ones((16,), jnp.int32)

        def _zero(i, carry):
            for j in range(ZUNROLL):
                hist_v[pl.ds((i * ZUNROLL + j) * 16, 16)] = zeros16
            return carry
        lax.fori_loop(0, NBINS // 16 // ZUNROLL, _zero, 0)
        cp.wait()

        def _scat(g, carry):
            for j in range(UNROLL):
                key16 = key_v[pl.ds((g * UNROLL + j) * 16, 16)]
                plsc.addupdate_scatter(hist_v, [key16], ones16)
            return carry
        lax.fori_loop(0, NGRP // UNROLL, _scat, 0)

        msum = zeros16
        for cc in range(K // 16):
            m = hist_v[pl.ds(cc * 16, 16)]
            for yy in range(1, NCLS):
                m = jnp.maximum(m, hist_v[pl.ds(yy * K + cc * 16, 16)])
            msum = msum + m
        correct = jnp.sum(msum)
        acc16 = (jnp.zeros((16,), jnp.float32)
                 + correct.astype(jnp.float32) * (1.0 / B))
        out_v[...] = acc16
        pltpu.sync_copy(out_v, out_hbm)


_sc_call = functools.partial(
    pl.kernel,
    out_type=jax.ShapeDtypeStruct((16,), jnp.float32),
    mesh=plsc.VectorSubcoreMesh(core_axis_name="c", subcore_axis_name="s",
                                num_cores=1),
    compiler_params=pltpu.CompilerParams(needs_layout_passes=False),
    scratch_types=[
        pltpu.VMEM((B,), jnp.int32),
        pltpu.VMEM((NBINS,), jnp.int32),
        pltpu.VMEM((16,), jnp.float32),
        pltpu.SemaphoreType.DMA,
    ],
)(_sc_body)


@jax.jit
def kernel(x, y, centers):
    y3 = y.astype(jnp.int32).reshape(G, 1, RB)
    loss, keys = _tc_call(x, y3, centers)
    acc = _sc_call(keys.reshape(B))[0]
    return (loss.reshape(()), acc.reshape(()))

# --- scband reference (transcript-rebuilt; emitter-appended) ---
"""Pipeline reference for scband-kmeans-67980742361657 (READ-ONLY COPY).

The authoritative reference and input builder live on the scoring server;
editing this copy changes nothing except your own understanding.
"""

import jax, jax.numpy as jnp
import numpy as np

N_DATA = 50000
B = 10000
D = 32
K = 512
ALPHA = 10


def setup_inputs(seed: int = 0) -> dict:
    key = jax.random.key(seed)
    k1, k2, k3, k4 = jax.random.split(key, 4)
    # inputMatrix used only to initialize the learned centers (nn.Parameter)
    X = jax.random.normal(k1, (N_DATA, D), dtype=jnp.float32)
    init_row = jax.random.randint(k2, (K,), 0, N_DATA)
    centers = X[init_row]
    x = jax.random.normal(k3, (B, D), dtype=jnp.float32)
    y = jax.random.randint(k4, (B,), 0, 10)
    return {"x": x, "y": y, "centers": centers}


def _caldis_l2(x, centers):
    # torch: expand x to [B, K, D], centers to [B, K, D], sum((x-c)**2, -1)
    return jnp.sum((x[:, None, :] - centers[None, :, :]) ** 2, axis=-1)


def _calwei2(distance, n_clusters):
    # torch.sort -> indices[:,0] is argmin; weight is a fresh (detached) one-hot
    y_p = jnp.argsort(distance, axis=1)[:, 0]
    weight = jax.nn.one_hot(y_p, n_clusters, dtype=jnp.float32)
    weight = jax.lax.stop_gradient(weight)
    return weight, y_p


def _calacc(y_p, y):
    n_classes = 10
    conf = jnp.zeros((K, n_classes), dtype=jnp.int32)
    conf = conf.at[y_p, y].add(1)
    correct_ct = jnp.sum(jnp.max(conf, axis=1))
    return correct_ct / float(y.shape[0])


def reference(x, y, centers):
    distance = _caldis_l2(x, centers)
    weight, y_p = _calwei2(distance, centers.shape[0])
    loss = jnp.sum(weight * distance)
    acc = _calacc(y_p, y).astype(jnp.float32)
    return (loss, acc)

if __name__ == "__main__":
    import jax
    _d = setup_inputs()
    print(jax.jit(kernel)(*tuple(_d.values())))

</pallas_src>

<mosaic_0001>
#map = affine_map<(d0, d1) -> (0)>
module attributes {stable_mosaic.version = 14 : i64} {
  func.func @_sc_body(%arg0: i32, %arg1: i32, %arg2: memref<10000xi32, #tpu.memory_space<hbm>>, %arg3: memref<16xf32, #tpu.memory_space<hbm>>, %arg4: memref<10000xi32, #tpu.memory_space<vmem>>, %arg5: memref<5120xi32, #tpu.memory_space<vmem>>, %arg6: memref<16xf32, #tpu.memory_space<vmem>>, %arg7: memref<!tpu.dma_semaphore, #tpu.memory_space<semaphore_mem>>) attributes {dimension_semantics = [#tpu.dimension_semantics<core_parallel>, #tpu.dimension_semantics<subcore_parallel>], iteration_bounds = array<i64: 1, 16>, scalar_prefetch = 0 : i64, scratch_operands = 4 : i64, tpu.core_type = #tpu.core_type<sc_vector_subcore>, window_params = [{transform_indices = #map}, {transform_indices = #map}]} {
    %eq3A = arith.constant 0 : i32
    %eq3A_0 = arith.cmpi eq, %arg1, %eq3A : i32
    %convert_element_type3A = arith.extui %eq3A_0 : i1 to i32
    %cond3A = arith.constant 0 : i32
    %cond3A_1 = arith.cmpi ne, %convert_element_type3A, %cond3A : i32
    scf.if %cond3A_1 {
      tpu.enqueue_dma source(%arg2 : memref<10000xi32, #tpu.memory_space<hbm>>) target(%arg4 : memref<10000xi32, #tpu.memory_space<vmem>>) target_semaphore(%arg7 : memref<!tpu.dma_semaphore, #tpu.memory_space<semaphore_mem>>)
      %broadcast_in_dim3A = arith.constant 0 : i32
      %broadcast_in_dim3A_2 = vector.broadcast %broadcast_in_dim3A : i32 to vector<16xi32>
      %broadcast_in_dim3A_3 = arith.constant 1 : i32
      %broadcast_in_dim3A_4 = vector.broadcast %broadcast_in_dim3A_3 : i32 to vector<16xi32>
      %scan3A = arith.constant 0 : i32
      %scan3A_5 = arith.constant 0 : i32
      %scan3A_6 = arith.constant 20 : i32
      %scan3A_7 = arith.addi %scan3A_5, %scan3A_6 : i32
      %scan3A_8 = arith.constant 1 : i32
      scf.for %scan3A_983 = %scan3A_5 to %scan3A_7 step %scan3A_8  : i32 {
        %mul3A_984 = arith.constant 16 : i32
        %mul3A_985 = arith.muli %scan3A_983, %mul3A_984 : i32
        %add3A_986 = arith.constant 0 : i32
        %add3A_987 = arith.addi %mul3A_985, %add3A_986 : i32
        %mul3A_988 = arith.constant 16 : i32
        %mul3A_989 = arith.muli %add3A_987, %mul3A_988 : i32
        %swap3A_990 = arith.index_cast %mul3A_989 : i32 to index
        %swap3A_991 = tpu.vector_load %arg5[%swap3A_990] {strides = array<i32>} : memref<5120xi32, #tpu.memory_space<vmem>>, vector<16xi32>,
        tpu.vector_store %arg5[%swap3A_990], %broadcast_in_dim3A_2 {strides = array<i32>} : memref<5120xi32, #tpu.memory_space<vmem>>, vector<16xi32>,
        %mul3A_992 = arith.constant 16 : i32
        %mul3A_993 = arith.muli %scan3A_983, %mul3A_992 : i32
        %add3A_994 = arith.constant 1 : i32
        %add3A_995 = arith.addi %mul3A_993, %add3A_994 : i32
        %mul3A_996 = arith.constant 16 : i32
        %mul3A_997 = arith.muli %add3A_995, %mul3A_996 : i32
        %swap3A_998 = arith.index_cast %mul3A_997 : i32 to index
        %swap3A_999 = tpu.vector_load %arg5[%swap3A_998] {strides = array<i32>} : memref<5120xi32, #tpu.memory_space<vmem>>, vector<16xi32>,
        tpu.vector_store %arg5[%swap3A_998], %broadcast_in_dim3A_2 {strides = array<i32>} : memref<5120xi32, #tpu.memory_space<vmem>>, vector<16xi32>,
        %mul3A_1000 = arith.constant 16 : i32
        %mul3A_1001 = arith.muli %scan3A_983, %mul3A_1000 : i32
        %add3A_1002 = arith.constant 2 : i32
        %add3A_1003 = arith.addi %mul3A_1001, %add3A_1002 : i32
        %mul3A_1004 = arith.constant 16 : i32
        %mul3A_1005 = arith.muli %add3A_1003, %mul3A_1004 : i32
        %swap3A_1006 = arith.index_cast %mul3A_1005 : i32 to index
        %swap3A_1007 = tpu.vector_load %arg5[%swap3A_1006] {strides = array<i32>} : memref<5120xi32, #tpu.memory_space<vmem>>, vector<16xi32>,
        tpu.vector_store %arg5[%swap3A_1006], %broadcast_in_dim3A_2 {strides = array<i32>} : memref<5120xi32, #tpu.memory_space<vmem>>, vector<16xi32>,
        %mul3A_1008 = arith.constant 16 : i32
        %mul3A_1009 = arith.muli %scan3A_983, %mul3A_1008 : i32
        %add3A_1010 = arith.constant 3 : i32
        %add3A_1011 = arith.addi %mul3A_1009, %add3A_1010 : i32
        %mul3A_1012 = arith.constant 16 : i32
        %mul3A_1013 = arith.muli %add3A_1011, %mul3A_1012 : i32
        %swap3A_1014 = arith.index_cast %mul3A_1013 : i32 to index
        %swap3A_1015 = tpu.vector_load %arg5[%swap3A_1014] {strides = array<i32>} : memref<5120xi32, #tpu.memory_space<vmem>>, vector<16xi32>,
        tpu.vector_store %arg5[%swap3A_1014], %broadcast_in_dim3A_2 {strides = array<i32>} : memref<5120xi32, #tpu.memory_space<vmem>>, vector<16xi32>,
        %mul3A_1016 = arith.constant 16 : i32
        %mul3A_1017 = arith.muli %scan3A_983, %mul3A_1016 : i32
        %add3A_1018 = arith.constant 4 : i32
        %add3A_1019 = arith.addi %mul3A_1017, %add3A_1018 : i32
        %mul3A_1020 = arith.constant 16 : i32
        %mul3A_1021 = arith.muli %add3A_1019, %mul3A_1020 : i32
        %swap3A_1022 = arith.index_cast %mul3A_1021 : i32 to index
        %swap3A_1023 = tpu.vector_load %arg5[%swap3A_1022] {strides = array<i32>} : memref<5120xi32, #tpu.memory_space<vmem>>, vector<16xi32>,
        tpu.vector_store %arg5[%swap3A_1022], %broadcast_in_dim3A_2 {strides = array<i32>} : memref<5120xi32, #tpu.memory_space<vmem>>, vector<16xi32>,
        %mul3A_1024 = arith.constant 16 : i32
        %mul3A_1025 = arith.muli %scan3A_983, %mul3A_1024 : i32
        %add3A_1026 = arith.constant 5 : i32
        %add3A_1027 = arith.addi %mul3A_1025, %add3A_1026 : i32
        %mul3A_1028 = arith.constant 16 : i32
        %mul3A_1029 = arith.muli %add3A_1027, %mul3A_1028 : i32
        %swap3A_1030 = arith.index_cast %mul3A_1029 : i32 to index
        %swap3A_1031 = tpu.vector_load %arg5[%swap3A_1030] {strides = array<i32>} : memref<5120xi32, #tpu.memory_space<vmem>>, vector<16xi32>,
        tpu.vector_store %arg5[%swap3A_1030], %broadcast_in_dim3A_2 {strides = array<i32>} : memref<5120xi32, #tpu.memory_space<vmem>>, vector<16xi32>,
        %mul3A_1032 = arith.constant 16 : i32
        %mul3A_1033 = arith.muli %scan3A_983, %mul3A_1032 : i32
        %add3A_1034 = arith.constant 6 : i32
        %add3A_1035 = arith.addi %mul3A_1033, %add3A_1034 : i32
        %mul3A_1036 = arith.constant 16 : i32
        %mul3A_1037 = arith.muli %add3A_1035, %mul3A_1036 : i32
        %swap3A_1038 = arith.index_cast %mul3A_1037 : i32 to index
        %swap3A_1039 = tpu.vector_load %arg5[%swap3A_1038] {strides = array<i32>} : memref<5120xi32, #tpu.memory_space<vmem>>, vector<16xi32>,
        tpu.vector_store %arg5[%swap3A_1038], %broadcast_in_dim3A_2 {strides = array<i32>} : memref<5120xi32, #tpu.memory_space<vmem>>, vector<16xi32>,
        %mul3A_1040 = arith.constant 16 : i32
        %mul3A_1041 = arith.muli %scan3A_983, %mul3A_1040 : i32
        %add3A_1042 = arith.constant 7 : i32
        %add3A_1043 = arith.addi %mul3A_1041, %add3A_1042 : i32
        %mul3A_1044 = arith.constant 16 : i32
        %mul3A_1045 = arith.muli %add3A_1043, %mul3A_1044 : i32
        %swap3A_1046 = arith.index_cast %mul3A_1045 : i32 to index
        %swap3A_1047 = tpu.vector_load %arg5[%swap3A_1046] {strides = array<i32>} : memref<5120xi32, #tpu.memory_space<vmem>>, vector<16xi32>,
        tpu.vector_store %arg5[%swap3A_1046], %broadcast_in_dim3A_2 {strides = array<i32>} : memref<5120xi32, #tpu.memory_space<vmem>>, vector<16xi32>,
        %mul3A_1048 = arith.constant 16 : i32
        %mul3A_1049 = arith.muli %scan3A_983, %mul3A_1048 : i32
        %add3A_1050 = arith.constant 8 : i32
        %add3A_1051 = arith.addi %mul3A_1049, %add3A_1050 : i32
        %mul3A_1052 = arith.constant 16 : i32
        %mul3A_1053 = arith.muli %add3A_1051, %mul3A_1052 : i32
        %swap3A_1054 = arith.index_cast %mul3A_1053 : i32 to index
        %swap3A_1055 = tpu.vector_load %arg5[%swap3A_1054] {strides = array<i32>} : memref<5120xi32, #tpu.memory_space<vmem>>, vector<16xi32>,
        tpu.vector_store %arg5[%swap3A_1054], %broadcast_in_dim3A_2 {strides = array<i32>} : memref<5120xi32, #tpu.memory_space<vmem>>, vector<16xi32>,
        %mul3A_1056 = arith.constant 16 : i32
        %mul3A_1057 = arith.muli %scan3A_983, %mul3A_1056 : i32
        %add3A_1058 = arith.constant 9 : i32
        %add3A_1059 = arith.addi %mul3A_1057, %add3A_1058 : i32
        %mul3A_1060 = arith.constant 16 : i32
        %mul3A_1061 = arith.muli %add3A_1059, %mul3A_1060 : i32
        %swap3A_1062 = arith.index_cast %mul3A_1061 : i32 to index
        %swap3A_1063 = tpu.vector_load %arg5[%swap3A_1062] {strides = array<i32>} : memref<5120xi32, #tpu.memory_space<vmem>>, vector<16xi32>,
        tpu.vector_store %arg5[%swap3A_1062], %broadcast_in_dim3A_2 {strides = array<i32>} : memref<5120xi32, #tpu.memory_space<vmem>>, vector<16xi32>,
        %mul3A_1064 = arith.constant 16 : i32
        %mul3A_1065 = arith.muli %scan3A_983, %mul3A_1064 : i32
        %add3A_1066 = arith.constant 10 : i32
        %add3A_1067 = arith.addi %mul3A_1065, %add3A_1066 : i32
        %mul3A_1068 = arith.constant 16 : i32
        %mul3A_1069 = arith.muli %add3A_1067, %mul3A_1068 : i32
        %swap3A_1070 = arith.index_cast %mul3A_1069 : i32 to index
        %swap3A_1071 = tpu.vector_load %arg5[%swap3A_1070] {strides = array<i32>} : memref<5120xi32, #tpu.memory_space<vmem>>, vector<16xi32>,
        tpu.vector_store %arg5[%swap3A_1070], %broadcast_in_dim3A_2 {strides = array<i32>} : memref<5120xi32, #tpu.memory_space<vmem>>, vector<16xi32>,
        %mul3A_1072 = arith.constant 16 : i32
        %mul3A_1073 = arith.muli %scan3A_983, %mul3A_1072 : i32
        %add3A_1074 = arith.constant 11 : i32
        %add3A_1075 = arith.addi %mul3A_1073, %add3A_1074 : i32
        %mul3A_1076 = arith.constant 16 : i32
        %mul3A_1077 = arith.muli %add3A_1075, %mul3A_1076 : i32
        %swap3A_1078 = arith.index_cast %mul3A_1077 : i32 to index
        %swap3A_1079 = tpu.vector_load %arg5[%swap3A_1078] {strides = array<i32>} : memref<5120xi32, #tpu.memory_space<vmem>>, vector<16xi32>,
        tpu.vector_store %arg5[%swap3A_1078], %broadcast_in_dim3A_2 {strides = array<i32>} : memref<5120xi32, #tpu.memory_space<vmem>>, vector<16xi32>,
        %mul3A_1080 = arith.constant 16 : i32
        %mul3A_1081 = arith.muli %scan3A_983, %mul3A_1080 : i32
        %add3A_1082 = arith.constant 12 : i32
        %add3A_1083 = arith.addi %mul3A_1081, %add3A_1082 : i32
        %mul3A_1084 = arith.constant 16 : i32
        %mul3A_1085 = arith.muli %add3A_1083, %mul3A_1084 : i32
        %swap3A_1086 = arith.index_cast %mul3A_1085 : i32 to index
        %swap3A_1087 = tpu.vector_load %arg5[%swap3A_1086] {strides = array<i32>} : memref<5120xi32, #tpu.memory_space<vmem>>, vector<16xi32>,
        tpu.vector_store %arg5[%swap3A_1086], %broadcast_in_dim3A_2 {strides = array<i32>} : memref<5120xi32, #tpu.memory_space<vmem>>, vector<16xi32>,
        %mul3A_1088 = arith.constant 16 : i32
        %mul3A_1089 = arith.muli %scan3A_983, %mul3A_1088 : i32
        %add3A_1090 = arith.constant 13 : i32
        %add3A_1091 = arith.addi %mul3A_1089, %add3A_1090 : i32
        %mul3A_1092 = arith.constant 16 : i32
        %mul3A_1093 = arith.muli %add3A_1091, %mul3A_1092 : i32
        %swap3A_1094 = arith.index_cast %mul3A_1093 : i32 to index
        %swap3A_1095 = tpu.vector_load %arg5[%swap3A_1094] {strides = array<i32>} : memref<5120xi32, #tpu.memory_space<vmem>>, vector<16xi32>,
        tpu.vector_store %arg5[%swap3A_1094], %broadcast_in_dim3A_2 {strides = array<i32>} : memref<5120xi32, #tpu.memory_space<vmem>>, vector<16xi32>,
        %mul3A_1096 = arith.constant 16 : i32
        %mul3A_1097 = arith.muli %scan3A_983, %mul3A_1096 : i32
        %add3A_1098 = arith.constant 14 : i32
        %add3A_1099 = arith.addi %mul3A_1097, %add3A_1098 : i32
        %mul3A_1100 = arith.constant 16 : i32
        %mul3A_1101 = arith.muli %add3A_1099, %mul3A_1100 : i32
        %swap3A_1102 = arith.index_cast %mul3A_1101 : i32 to index
        %swap3A_1103 = tpu.vector_load %arg5[%swap3A_1102] {strides = array<i32>} : memref<5120xi32, #tpu.memory_space<vmem>>, vector<16xi32>,
        tpu.vector_store %arg5[%swap3A_1102], %broadcast_in_dim3A_2 {strides = array<i32>} : memref<5120xi32, #tpu.memory_space<vmem>>, vector<16xi32>,
        %mul3A_1104 = arith.constant 16 : i32
        %mul3A_1105 = arith.muli %scan3A_983, %mul3A_1104 : i32
        %add3A_1106 = arith.constant 15 : i32
        %add3A_1107 = arith.addi %mul3A_1105, %add3A_1106 : i32
        %mul3A_1108 = arith.constant 16 : i32
        %mul3A_1109 = arith.muli %add3A_1107, %mul3A_1108 : i32
        %swap3A_1110 = arith.index_cast %mul3A_1109 : i32 to index
        %swap3A_1111 = tpu.vector_load %arg5[%swap3A_1110] {strides = array<i32>} : memref<5120xi32, #tpu.memory_space<vmem>>, vector<16xi32>,
        tpu.vector_store %arg5[%swap3A_1110], %broadcast_in_dim3A_2 {strides = array<i32>} : memref<5120xi32, #tpu.memory_space<vmem>>, vector<16xi32>,
      }
      %scan3A_9 = arith.constant 20 : i32
      tpu.wait_dma2 semaphore(%arg7 : memref<!tpu.dma_semaphore, #tpu.memory_space<semaphore_mem>>) src(%arg2 : memref<10000xi32, #tpu.memory_space<hbm>>) dst(%arg4 : memref<10000xi32, #tpu.memory_space<vmem>>)
      %scan3A_10 = arith.constant 0 : i32
      %scan3A_11 = arith.constant 0 : i32
      %scan3A_12 = arith.constant 25 : i32
      %scan3A_13 = arith.addi %scan3A_11, %scan3A_12 : i32
      %scan3A_14 = arith.constant 1 : i32
      scf.for %scan3A_983 = %scan3A_11 to %scan3A_13 step %scan3A_14  : i32 {
        %mul3A_984 = arith.constant 25 : i32
        %mul3A_985 = arith.muli %scan3A_983, %mul3A_984 : i32
        %add3A_986 = arith.constant 0 : i32
        %add3A_987 = arith.addi %mul3A_985, %add3A_986 : i32
        %mul3A_988 = arith.constant 16 : i32
        %mul3A_989 = arith.muli %add3A_987, %mul3A_988 : i32
        %get3A_990 = arith.index_cast %mul3A_989 : i32 to index
        %get3A_991 = tpu.vector_load %arg4[%get3A_990] {strides = array<i32>} : memref<10000xi32, #tpu.memory_space<vmem>>, vector<16xi32>,
        tpu.vector_store_idx %arg5[%get3A_991], %broadcast_in_dim3A_4 {add = true} : memref<5120xi32, #tpu.memory_space<vmem>>[vector<16xi32>], vector<16xi32>,
        %mul3A_992 = arith.constant 25 : i32
        %mul3A_993 = arith.muli %scan3A_983, %mul3A_992 : i32
        %add3A_994 = arith.constant 1 : i32
        %add3A_995 = arith.addi %mul3A_993, %add3A_994 : i32
        %mul3A_996 = arith.constant 16 : i32
        %mul3A_997 = arith.muli %add3A_995, %mul3A_996 : i32
        %get3A_998 = arith.index_cast %mul3A_997 : i32 to index
        %get3A_999 = tpu.vector_load %arg4[%get3A_998] {strides = array<i32>} : memref<10000xi32, #tpu.memory_space<vmem>>, vector<16xi32>,
        tpu.vector_store_idx %arg5[%get3A_999], %broadcast_in_dim3A_4 {add = true} : memref<5120xi32, #tpu.memory_space<vmem>>[vector<16xi32>], vector<16xi32>,
        %mul3A_1000 = arith.constant 25 : i32
        %mul3A_1001 = arith.muli %scan3A_983, %mul3A_1000 : i32
        %add3A_1002 = arith.constant 2 : i32
        %add3A_1003 = arith.addi %mul3A_1001, %add3A_1002 : i32
        %mul3A_1004 = arith.constant 16 : i32
        %mul3A_1005 = arith.muli %add3A_1003, %mul3A_1004 : i32
        %get3A_1006 = arith.index_cast %mul3A_1005 : i32 to index
        %get3A_1007 = tpu.vector_load %arg4[%get3A_1006] {strides = array<i32>} : memref<10000xi32, #tpu.memory_space<vmem>>, vector<16xi32>,
        tpu.vector_store_idx %arg5[%get3A_1007], %broadcast_in_dim3A_4 {add = true} : memref<5120xi32, #tpu.memory_space<vmem>>[vector<16xi32>], vector<16xi32>,
        %mul3A_1008 = arith.constant 25 : i32
        %mul3A_1009 = arith.muli %scan3A_983, %mul3A_1008 : i32
        %add3A_1010 = arith.constant 3 : i32
        %add3A_1011 = arith.addi %mul3A_1009, %add3A_1010 : i32
        %mul3A_1012 = arith.constant 16 : i32
        %mul3A_1013 = arith.muli %add3A_1011, %mul3A_1012 : i32
        %get3A_1014 = arith.index_cast %mul3A_1013 : i32 to index
        %get3A_1015 = tpu.vector_load %arg4[%get3A_1014] {strides = array<i32>} : memref<10000xi32, #tpu.memory_space<vmem>>, vector<16xi32>,
        tpu.vector_store_idx %arg5[%get3A_1015], %broadcast_in_dim3A_4 {add = true} : memref<5120xi32, #tpu.memory_space<vmem>>[vector<16xi32>], vector<16xi32>,
        %mul3A_1016 = arith.constant 25 : i32
        %mul3A_1017 = arith.muli %scan3A_983, %mul3A_1016 : i32
        %add3A_1018 = arith.constant 4 : i32
        %add3A_1019 = arith.addi %mul3A_1017, %add3A_1018 : i32
        %mul3A_1020 = arith.constant 16 : i32
        %mul3A_1021 = arith.muli %add3A_1019, %mul3A_1020 : i32
        %get3A_1022 = arith.index_cast %mul3A_1021 : i32 to index
        %get3A_1023 = tpu.vector_load %arg4[%get3A_1022] {strides = array<i32>} : memref<10000xi32, #tpu.memory_space<vmem>>, vector<16xi32>,
        tpu.vector_store_idx %arg5[%get3A_1023], %broadcast_in_dim3A_4 {add = true} : memref<5120xi32, #tpu.memory_space<vmem>>[vector<16xi32>], vector<16xi32>,
        %mul3A_1024 = arith.constant 25 : i32
        %mul3A_1025 = arith.muli %scan3A_983, %mul3A_1024 : i32
        %add3A_1026 = arith.constant 5 : i32
        %add3A_1027 = arith.addi %mul3A_1025, %add3A_1026 : i32
        %mul3A_1028 = arith.constant 16 : i32
        %mul3A_1029 = arith.muli %add3A_1027, %mul3A_1028 : i32
        %get3A_1030 = arith.index_cast %mul3A_1029 : i32 to index
        %get3A_1031 = tpu.vector_load %arg4[%get3A_1030] {strides = array<i32>} : memref<10000xi32, #tpu.memory_space<vmem>>, vector<16xi32>,
        tpu.vector_store_idx %arg5[%get3A_1031], %broadcast_in_dim3A_4 {add = true} : memref<5120xi32, #tpu.memory_space<vmem>>[vector<16xi32>], vector<16xi32>,
        %mul3A_1032 = arith.constant 25 : i32
        %mul3A_1033 = arith.muli %scan3A_983, %mul3A_1032 : i32
        %add3A_1034 = arith.constant 6 : i32
        %add3A_1035 = arith.addi %mul3A_1033, %add3A_1034 : i32
        %mul3A_1036 = arith.constant 16 : i32
        %mul3A_1037 = arith.muli %add3A_1035, %mul3A_1036 : i32
        %get3A_1038 = arith.index_cast %mul3A_1037 : i32 to index
        %get3A_1039 = tpu.vector_load %arg4[%get3A_1038] {strides = array<i32>} : memref<10000xi32, #tpu.memory_space<vmem>>, vector<16xi32>,
        tpu.vector_store_idx %arg5[%get3A_1039], %broadcast_in_dim3A_4 {add = true} : memref<5120xi32, #tpu.memory_space<vmem>>[vector<16xi32>], vector<16xi32>,
        %mul3A_1040 = arith.constant 25 : i32
        %mul3A_1041 = arith.muli %scan3A_983, %mul3A_1040 : i32
        %add3A_1042 = arith.constant 7 : i32
        %add3A_1043 = arith.addi %mul3A_1041, %add3A_1042 : i32
        %mul3A_1044 = arith.constant 16 : i32
        %mul3A_1045 = arith.muli %add3A_1043, %mul3A_1044 : i32
        %get3A_1046 = arith.index_cast %mul3A_1045 : i32 to index
        %get3A_1047 = tpu.vector_load %arg4[%get3A_1046] {strides = array<i32>} : memref<10000xi32, #tpu.memory_space<vmem>>, vector<16xi32>,
        tpu.vector_store_idx %arg5[%get3A_1047], %broadcast_in_dim3A_4 {add = true} : memref<5120xi32, #tpu.memory_space<vmem>>[vector<16xi32>], vector<16xi32>,
        %mul3A_1048 = arith.constant 25 : i32
        %mul3A_1049 = arith.muli %scan3A_983, %mul3A_1048 : i32
        %add3A_1050 = arith.constant 8 : i32
        %add3A_1051 = arith.addi %mul3A_1049, %add3A_1050 : i32
        %mul3A_1052 = arith.constant 16 : i32
        %mul3A_1053 = arith.muli %add3A_1051, %mul3A_1052 : i32
        %get3A_1054 = arith.index_cast %mul3A_1053 : i32 to index
        %get3A_1055 = tpu.vector_load %arg4[%get3A_1054] {strides = array<i32>} : memref<10000xi32, #tpu.memory_space<vmem>>, vector<16xi32>,
        tpu.vector_store_idx %arg5[%get3A_1055], %broadcast_in_dim3A_4 {add = true} : memref<5120xi32, #tpu.memory_space<vmem>>[vector<16xi32>], vector<16xi32>,
        %mul3A_1056 = arith.constant 25 : i32
        %mul3A_1057 = arith.muli %scan3A_983, %mul3A_1056 : i32
        %add3A_1058 = arith.constant 9 : i32
        %add3A_1059 = arith.addi %mul3A_1057, %add3A_1058 : i32
        %mul3A_1060 = arith.constant 16 : i32
        %mul3A_1061 = arith.muli %add3A_1059, %mul3A_1060 : i32
        %get3A_1062 = arith.index_cast %mul3A_1061 : i32 to index
        %get3A_1063 = tpu.vector_load %arg4[%get3A_1062] {strides = array<i32>} : memref<10000xi32, #tpu.memory_space<vmem>>, vector<16xi32>,
        tpu.vector_store_idx %arg5[%get3A_1063], %broadcast_in_dim3A_4 {add = true} : memref<5120xi32, #tpu.memory_space<vmem>>[vector<16xi32>], vector<16xi32>,
        %mul3A_1064 = arith.constant 25 : i32
        %mul3A_1065 = arith.muli %scan3A_983, %mul3A_1064 : i32
        %add3A_1066 = arith.constant 10 : i32
        %add3A_1067 = arith.addi %mul3A_1065, %add3A_1066 : i32
        %mul3A_1068 = arith.constant 16 : i32
        %mul3A_1069 = arith.muli %add3A_1067, %mul3A_1068 : i32
        %get3A_1070 = arith.index_cast %mul3A_1069 : i32 to index
        %get3A_1071 = tpu.vector_load %arg4[%get3A_1070] {strides = array<i32>} : memref<10000xi32, #tpu.memory_space<vmem>>, vector<16xi32>,
        tpu.vector_store_idx %arg5[%get3A_1071], %broadcast_in_dim3A_4 {add = true} : memref<5120xi32, #tpu.memory_space<vmem>>[vector<16xi32>], vector<16xi32>,
        %mul3A_1072 = arith.constant 25 : i32
        %mul3A_1073 = arith.muli %scan3A_983, %mul3A_1072 : i32
        %add3A_1074 = arith.constant 11 : i32
        %add3A_1075 = arith.addi %mul3A_1073, %add3A_1074 : i32
        %mul3A_1076 = arith.constant 16 : i32
        %mul3A_1077 = arith.muli %add3A_1075, %mul3A_1076 : i32
        %get3A_1078 = arith.index_cast %mul3A_1077 : i32 to index
        %get3A_1079 = tpu.vector_load %arg4[%get3A_1078] {strides = array<i32>} : memref<10000xi32, #tpu.memory_space<vmem>>, vector<16xi32>,
        tpu.vector_store_idx %arg5[%get3A_1079], %broadcast_in_dim3A_4 {add = true} : memref<5120xi32, #tpu.memory_space<vmem>>[vector<16xi32>], vector<16xi32>,
        %mul3A_1080 = arith.constant 25 : i32
        %mul3A_1081 = arith.muli %scan3A_983, %mul3A_1080 : i32
        %add3A_1082 = arith.constant 12 : i32
        %add3A_1083 = arith.addi %mul3A_1081, %add3A_1082 : i32
        %mul3A_1084 = arith.constant 16 : i32
        %mul3A_1085 = arith.muli %add3A_1083, %mul3A_1084 : i32
        %get3A_1086 = arith.index_cast %mul3A_1085 : i32 to index
        %get3A_1087 = tpu.vector_load %arg4[%get3A_1086] {strides = array<i32>} : memref<10000xi32, #tpu.memory_space<vmem>>, vector<16xi32>,
        tpu.vector_store_idx %arg5[%get3A_1087], %broadcast_in_dim3A_4 {add = true} : memref<5120xi32, #tpu.memory_space<vmem>>[vector<16xi32>], vector<16xi32>,
        %mul3A_1088 = arith.constant 25 : i32
        %mul3A_1089 = arith.muli %scan3A_983, %mul3A_1088 : i32
        %add3A_1090 = arith.constant 13 : i32
        %add3A_1091 = arith.addi %mul3A_1089, %add3A_1090 : i32
        %mul3A_1092 = arith.constant 16 : i32
        %mul3A_1093 = arith.muli %add3A_1091, %mul3A_1092 : i32
        %get3A_1094 = arith.index_cast %mul3A_1093 : i32 to index
        %get3A_1095 = tpu.vector_load %arg4[%get3A_1094] {strides = array<i32>} : memref<10000xi32, #tpu.memory_space<vmem>>, vector<16xi32>,
        tpu.vector_store_idx %arg5[%get3A_1095], %broadcast_in_dim3A_4 {add = true} : memref<5120xi32, #tpu.memory_space<vmem>>[vector<16xi32>], vector<16xi32>,
        %mul3A_1096 = arith.constant 25 : i32
        %mul3A_1097 = arith.muli %scan3A_983, %mul3A_1096 : i32
        %add3A_1098 = arith.constant 14 : i32
        %add3A_1099 = arith.addi %mul3A_1097, %add3A_1098 : i32
        %mul3A_1100 = arith.constant 16 : i32
        %mul3A_1101 = arith.muli %add3A_1099, %mul3A_1100 : i32
        %get3A_1102 = arith.index_cast %mul3A_1101 : i32 to index
        %get3A_1103 = tpu.vector_load %arg4[%get3A_1102] {strides = array<i32>} : memref<10000xi32, #tpu.memory_space<vmem>>, vector<16xi32>,
        tpu.vector_store_idx %arg5[%get3A_1103], %broadcast_in_dim3A_4 {add = true} : memref<5120xi32, #tpu.memory_space<vmem>>[vector<16xi32>], vector<16xi32>,
        %mul3A_1104 = arith.constant 25 : i32
        %mul3A_1105 = arith.muli %scan3A_983, %mul3A_1104 : i32
        %add3A_1106 = arith.constant 15 : i32
        %add3A_1107 = arith.addi %mul3A_1105, %add3A_1106 : i32
        %mul3A_1108 = arith.constant 16 : i32
        %mul3A_1109 = arith.muli %add3A_1107, %mul3A_1108 : i32
        %get3A_1110 = arith.index_cast %mul3A_1109 : i32 to index
        %get3A_1111 = tpu.vector_load %arg4[%get3A_1110] {strides = array<i32>} : memref<10000xi32, #tpu.memory_space<vmem>>, vector<16xi32>,
        tpu.vector_store_idx %arg5[%get3A_1111], %broadcast_in_dim3A_4 {add = true} : memref<5120xi32, #tpu.memory_space<vmem>>[vector<16xi32>], vector<16xi32>,
        %mul3A_1112 = arith.constant 25 : i32
        %mul3A_1113 = arith.muli %scan3A_983, %mul3A_1112 : i32
        %add3A_1114 = arith.constant 16 : i32
        %add3A_1115 = arith.addi %mul3A_1113, %add3A_1114 : i32
        %mul3A_1116 = arith.constant 16 : i32
        %mul3A_1117 = arith.muli %add3A_1115, %mul3A_1116 : i32
        %get3A_1118 = arith.index_cast %mul3A_1117 : i32 to index
        %get3A_1119 = tpu.vector_load %arg4[%get3A_1118] {strides = array<i32>} : memref<10000xi32, #tpu.memory_space<vmem>>, vector<16xi32>,
        tpu.vector_store_idx %arg5[%get3A_1119], %broadcast_in_dim3A_4 {add = true} : memref<5120xi32, #tpu.memory_space<vmem>>[vector<16xi32>], vector<16xi32>,
        %mul3A_1120 = arith.constant 25 : i32
        %mul3A_1121 = arith.muli %scan3A_983, %mul3A_1120 : i32
        %add3A_1122 = arith.constant 17 : i32
        %add3A_1123 = arith.addi %mul3A_1121, %add3A_1122 : i32
        %mul3A_1124 = arith.constant 16 : i32
        %mul3A_1125 = arith.muli %add3A_1123, %mul3A_1124 : i32
        %get3A_1126 = arith.index_cast %mul3A_1125 : i32 to index
        %get3A_1127 = tpu.vector_load %arg4[%get3A_1126] {strides = array<i32>} : memref<10000xi32, #tpu.memory_space<vmem>>, vector<16xi32>,
        tpu.vector_store_idx %arg5[%get3A_1127], %broadcast_in_dim3A_4 {add = true} : memref<5120xi32, #tpu.memory_space<vmem>>[vector<16xi32>], vector<16xi32>,
        %mul3A_1128 = arith.constant 25 : i32
        %mul3A_1129 = arith.muli %scan3A_983, %mul3A_1128 : i32
        %add3A_1130 = arith.constant 18 : i32
        %add3A_1131 = arith.addi %mul3A_1129, %add3A_1130 : i32
        %mul3A_1132 = arith.constant 16 : i32
        %mul3A_1133 = arith.muli %add3A_1131, %mul3A_1132 : i32
        %get3A_1134 = arith.index_cast %mul3A_1133 : i32 to index
        %get3A_1135 = tpu.vector_load %arg4[%get3A_1134] {strides = array<i32>} : memref<10000xi32, #tpu.memory_space<vmem>>, vector<16xi32>,
        tpu.vector_store_idx %arg5[%get3A_1135], %broadcast_in_dim3A_4 {add = true} : memref<5120xi32, #tpu.memory_space<vmem>>[vector<16xi32>], vector<16xi32>,
        %mul3A_1136 = arith.constant 25 : i32
        %mul3A_1137 = arith.muli %scan3A_983, %mul3A_1136 : i32
        %add3A_1138 = arith.constant 19 : i32
        %add3A_1139 = arith.addi %mul3A_1137, %add3A_1138 : i32
        %mul3A_1140 = arith.constant 16 : i32
        %mul3A_1141 = arith.muli %add3A_1139, %mul3A_1140 : i32
        %get3A_1142 = arith.index_cast %mul3A_1141 : i32 to index
        %get3A_1143 = tpu.vector_load %arg4[%get3A_1142] {strides = array<i32>} : memref<10000xi32, #tpu.memory_space<vmem>>, vector<16xi32>,
        tpu.vector_store_idx %arg5[%get3A_1143], %broadcast_in_dim3A_4 {add = true} : memref<5120xi32, #tpu.memory_space<vmem>>[vector<16xi32>], vector<16xi32>,
        %mul3A_1144 = arith.constant 25 : i32
        %mul3A_1145 = arith.muli %scan3A_983, %mul3A_1144 : i32
        %add3A_1146 = arith.constant 20 : i32
        %add3A_1147 = arith.addi %mul3A_1145, %add3A_1146 : i32
        %mul3A_1148 = arith.constant 16 : i32
        %mul3A_1149 = arith.muli %add3A_1147, %mul3A_1148 : i32
        %get3A_1150 = arith.index_cast %mul3A_1149 : i32 to index
        %get3A_1151 = tpu.vector_load %arg4[%get3A_1150] {strides = array<i32>} : memref<10000xi32, #tpu.memory_space<vmem>>, vector<16xi32>,
        tpu.vector_store_idx %arg5[%get3A_1151], %broadcast_in_dim3A_4 {add = true} : memref<5120xi32, #tpu.memory_space<vmem>>[vector<16xi32>], vector<16xi32>,
        %mul3A_1152 = arith.constant 25 : i32
        %mul3A_1153 = arith.muli %scan3A_983, %mul3A_1152 : i32
        %add3A_1154 = arith.constant 21 : i32
        %add3A_1155 = arith.addi %mul3A_1153, %add3A_1154 : i32
        %mul3A_1156 = arith.constant 16 : i32
        %mul3A_1157 = arith.muli %add3A_1155, %mul3A_1156 : i32
        %get3A_1158 = arith.index_cast %mul3A_1157 : i32 to index
        %get3A_1159 = tpu.vector_load %arg4[%get3A_1158] {strides = array<i32>} : memref<10000xi32, #tpu.memory_space<vmem>>, vector<16xi32>,
        tpu.vector_store_idx %arg5[%get3A_1159], %broadcast_in_dim3A_4 {add = true} : memref<5120xi32, #tpu.memory_space<vmem>>[vector<16xi32>], vector<16xi32>,
        %mul3A_1160 = arith.constant 25 : i32
        %mul3A_1161 = arith.muli %scan3A_983, %mul3A_1160 : i32
        %add3A_1162 = arith.constant 22 : i32
        %add3A_1163 = arith.addi %mul3A_1161, %add3A_1162 : i32
        %mul3A_1164 = arith.constant 16 : i32
        %mul3A_1165 = arith.muli %add3A_1163, %mul3A_1164 : i32
        %get3A_1166 = arith.index_cast %mul3A_1165 : i32 to index
        %get3A_1167 = tpu.vector_load %arg4[%get3A_1166] {strides = array<i32>} : memref<10000xi32, #tpu.memory_space<vmem>>, vector<16xi32>,
        tpu.vector_store_idx %arg5[%get3A_1167], %broadcast_in_dim3A_4 {add = true} : memref<5120xi32, #tpu.memory_space<vmem>>[vector<16xi32>], vector<16xi32>,
        %mul3A_1168 = arith.constant 25 : i32
        %mul3A_1169 = arith.muli %scan3A_983, %mul3A_1168 : i32
        %add3A_1170 = arith.constant 23 : i32
        %add3A_1171 = arith.addi %mul3A_1169, %add3A_1170 : i32
        %mul3A_1172 = arith.constant 16 : i32
        %mul3A_1173 = arith.muli %add3A_1171, %mul3A_1172 : i32
        %get3A_1174 = arith.index_cast %mul3A_1173 : i32 to index
        %get3A_1175 = tpu.vector_load %arg4[%get3A_1174] {strides = array<i32>} : memref<10000xi32, #tpu.memory_space<vmem>>, vector<16xi32>,
        tpu.vector_store_idx %arg5[%get3A_1175], %broadcast_in_dim3A_4 {add = true} : memref<5120xi32, #tpu.memory_space<vmem>>[vector<16xi32>], vector<16xi32>,
        %mul3A_1176 = arith.constant 25 : i32
        %mul3A_1177 = arith.muli %scan3A_983, %mul3A_1176 : i32
        %add3A_1178 = arith.constant 24 : i32
        %add3A_1179 = arith.addi %mul3A_1177, %add3A_1178 : i32
        %mul3A_1180 = arith.constant 16 : i32
        %mul3A_1181 = arith.muli %add3A_1179, %mul3A_1180 : i32
        %get3A_1182 = arith.index_cast %mul3A_1181 : i32 to index
        %get3A_1183 = tpu.vector_load %arg4[%get3A_1182] {strides = array<i32>} : memref<10000xi32, #tpu.memory_space<vmem>>, vector<16xi32>,
        tpu.vector_store_idx %arg5[%get3A_1183], %broadcast_in_dim3A_4 {add = true} : memref<5120xi32, #tpu.memory_space<vmem>>[vector<16xi32>], vector<16xi32>,
      }
      %scan3A_15 = arith.constant 25 : i32
      %get3A = arith.constant 0 : index
      %get3A_16 = tpu.vector_load %arg5[%get3A] {strides = array<i32>} : memref<5120xi32, #tpu.memory_space<vmem>>, vector<16xi32>,
      %get3A_17 = arith.constant 512 : index
      %get3A_18 = tpu.vector_load %arg5[%get3A_17] {strides = array<i32>} : memref<5120xi32, #tpu.memory_space<vmem>>, vector<16xi32>,
      %max3A = arith.maxsi %get3A_16, %get3A_18 : vector<16xi32>
      %get3A_19 = arith.constant 1024 : index
      %get3A_20 = tpu.vector_load %arg5[%get3A_19] {strides = array<i32>} : memref<5120xi32, #tpu.memory_space<vmem>>, vector<16xi32>,
      %max3A_21 = arith.maxsi %max3A, %get3A_20 : vector<16xi32>
      %get3A_22 = arith.constant 1536 : index
      %get3A_23 = tpu.vector_load %arg5[%get3A_22] {strides = array<i32>} : memref<5120xi32, #tpu.memory_space<vmem>>, vector<16xi32>,
      %max3A_24 = arith.maxsi %max3A_21, %get3A_23 : vector<16xi32>
      %get3A_25 = arith.constant 2048 : index
      %get3A_26 = tpu.vector_load %arg5[%get3A_25] {strides = array<i32>} : memref<5120xi32, #tpu.memory_space<vmem>>, vector<16xi32>,
      %max3A_27 = arith.maxsi %max3A_24, %get3A_26 : vector<16xi32>
      %get3A_28 = arith.constant 2560 : index
      %get3A_29 = tpu.vector_load %arg5[%get3A_28] {strides = array<i32>} : memref<5120xi32, #tpu.memory_space<vmem>>, vector<16xi32>,
      %max3A_30 = arith.maxsi %max3A_27, %get3A_29 : vector<16xi32>
      %get3A_31 = arith.constant 3072 : index
      %get3A_32 = tpu.vector_load %arg5[%get3A_31] {strides = array<i32>} : memref<5120xi32, #tpu.memory_space<vmem>>, vector<16xi32>,
      %max3A_33 = arith.maxsi %max3A_30, %get3A_32 : vector<16xi32>
      %get3A_34 = arith.constant 3584 : index
      %get3A_35 = tpu.vector_load %arg5[%get3A_34] {strides = array<i32>} : memref<5120xi32, #tpu.memory_space<vmem>>, vector<16xi32>,
      %max3A_36 = arith.maxsi %max3A_33, %get3A_35 : vector<16xi32>
      %get3A_37 = arith.constant 4096 : index
      %get3A_38 = tpu.vector_load %arg5[%get3A_37] {strides = array<i32>} : memref<5120xi32, #tpu.memory_space<vmem>>, vector<16xi32>,
      %max3A_39 = arith.maxsi %max3A_36, %get3A_38 : vector<16xi32>
      %get3A_40 = arith.constant 4608 : index
      %get3A_41 = tpu.vector_load %arg5[%get3A_40] {strides = array<i32>} : memref<5120xi32, #tpu.memory_space<vmem>>, vector<16xi32>,
      %max3A_42 = arith.maxsi %max3A_39, %get3A_41 : vector<16xi32>
      %add3A = arith.addi %broadcast_in_dim3A_2, %max3A_42 : vector<16xi32>
      %get3A_43 = arith.constant 16 : index
      %get3A_44 = tpu.vector_load %arg5[%get3A_43] {strides = array<i32>} : memref<5120xi32, #tpu.memory_space<vmem>>, vector<16xi32>,
      %get3A_45 = arith.constant 528 : index
      %get3A_46 = tpu.vector_load %arg5[%get3A_45] {strides = array<i32>} : memref<5120xi32, #tpu.memory_space<vmem>>, vector<16xi32>,
      %max3A_47 = arith.maxsi %get3A_44, %get3A_46 : vector<16xi32>
      %get3A_48 = arith.constant 1040 : index
      %get3A_49 = tpu.vector_load %arg5[%get3A_48] {strides = array<i32>} : memref<5120xi32, #tpu.memory_space<vmem>>, vector<16xi32>,
      %max3A_50 = arith.maxsi %max3A_47, %get3A_49 : vector<16xi32>
      %get3A_51 = arith.constant 1552 : index
      %get3A_52 = tpu.vector_load %arg5[%get3A_51] {strides = array<i32>} : memref<5120xi32, #tpu.memory_space<vmem>>, vector<16xi32>,
      %max3A_53 = arith.maxsi %max3A_50, %get3A_52 : vector<16xi32>
      %get3A_54 = arith.constant 2064 : index
      %get3A_55 = tpu.vector_load %arg5[%get3A_54] {strides = array<i32>} : memref<5120xi32, #tpu.memory_space<vmem>>, vector<16xi32>,
      %max3A_56 = arith.maxsi %max3A_53, %get3A_55 : vector<16xi32>
      %get3A_57 = arith.constant 2576 : index
      %get3A_58 = tpu.vector_load %arg5[%get3A_57] {strides = array<i32>} : memref<5120xi32, #tpu.memory_space<vmem>>, vector<16xi32>,
      %max3A_59 = arith.maxsi %max3A_56, %get3A_58 : vector<16xi32>
      %get3A_60 = arith.constant 3088 : index
      %get3A_61 = tpu.vector_load %arg5[%get3A_60] {strides = array<i32>} : memref<5120xi32, #tpu.memory_space<vmem>>, vector<16xi32>,
      %max3A_62 = arith.maxsi %max3A_59, %get3A_61 : vector<16xi32>
      %get3A_63 = arith.constant 3600 : index
      %get3A_64 = tpu.vector_load %arg5[%get3A_63] {strides = array<i32>} : memref<5120xi32, #tpu.memory_space<vmem>>, vector<16xi32>,
      %max3A_65 = arith.maxsi %max3A_62, %get3A_64 : vector<16xi32>
      %get3A_66 = arith.constant 4112 : index
      %get3A_67 = tpu.vector_load %arg5[%get3A_66] {strides = array<i32>} : memref<5120xi32, #tpu.memory_space<vmem>>, vector<16xi32>,
      %max3A_68 = arith.maxsi %max3A_65, %get3A_67 : vector<16xi32>
      %get3A_69 = arith.constant 4624 : index
      %get3A_70 = tpu.vector_load %arg5[%get3A_69] {strides = array<i32>} : memref<5120xi32, #tpu.memory_space<vmem>>, vector<16xi32>,
      %max3A_71 = arith.maxsi %max3A_68, %get3A_70 : vector<16xi32>
      %add3A_72 = arith.addi %add3A, %max3A_71 : vector<16xi32>
      %get3A_73 = arith.constant 32 : index
      %get3A_74 = tpu.vector_load %arg5[%get3A_73] {strides = array<i32>} : memref<5120xi32, #tpu.memory_space<vmem>>, vector<16xi32>,
      %get3A_75 = arith.constant 544 : index
      %get3A_76 = tpu.vector_load %arg5[%get3A_75] {strides = array<i32>} : memref<5120xi32, #tpu.memory_space<vmem>>, vector<16xi32>,
      %max3A_77 = arith.maxsi %get3A_74, %get3A_76 : vector<16xi32>
      %get3A_78 = arith.constant 1056 : index
      %get3A_79 = tpu.vector_load %arg5[%get3A_78] {strides = array<i32>} : memref<5120xi32, #tpu.memory_space<vmem>>, vector<16xi32>,
      %max3A_80 = arith.maxsi %max3A_77, %get3A_79 : vector<16xi32>
      %get3A_81 = arith.constant 1568 : index
      %get3A_82 = tpu.vector_load %arg5[%get3A_81] {strides = array<i32>} : memref<5120xi32, #tpu.memory_space<vmem>>, vector<16xi32>,
      %max3A_83 = arith.maxsi %max3A_80, %get3A_82 : vector<16xi32>
      %get3A_84 = arith.constant 2080 : index
      %get3A_85 = tpu.vector_load %arg5[%get3A_84] {strides = array<i32>} : memref<5120xi32, #tpu.memory_space<vmem>>, vector<16xi32>,
      %max3A_86 = arith.maxsi %max3A_83, %get3A_85 : vector<16xi32>
      %get3A_87 = arith.constant 2592 : index
      %get3A_88 = tpu.vector_load %arg5[%get3A_87] {strides = array<i32>} : memref<5120xi32, #tpu.memory_space<vmem>>, vector<16xi32>,
      %max3A_89 = arith.maxsi %max3A_86, %get3A_88 : vector<16xi32>
      %get3A_90 = arith.constant 3104 : index
      %get3A_91 = tpu.vector_load %arg5[%get3A_90] {strides = array<i32>} : memref<5120xi32, #tpu.memory_space<vmem>>, vector<16xi32>,
      %max3A_92 = arith.maxsi %max3A_89, %get3A_91 : vector<16xi32>
      %get3A_93 = arith.constant 3616 : index
      %get3A_94 = tpu.vector_load %arg5[%get3A_93] {strides = array<i32>} : memref<5120xi32, #tpu.memory_space<vmem>>, vector<16xi32>,
      %max3A_95 = arith.maxsi %max3A_92, %get3A_94 : vector<16xi32>
      %get3A_96 = arith.constant 4128 : index
      %get3A_97 = tpu.vector_load %arg5[%get3A_96] {strides = array<i32>} : memref<5120xi32, #tpu.memory_space<vmem>>, vector<16xi32>,
      %max3A_98 = arith.maxsi %max3A_95, %get3A_97 : vector<16xi32>
      %get3A_99 = arith.constant 4640 : index
      %get3A_100 = tpu.vector_load %arg5[%get3A_99] {strides = array<i32>} : memref<5120xi32, #tpu.memory_space<vmem>>, vector<16xi32>,
      %max3A_101 = arith.maxsi %max3A_98, %get3A_100 : vector<16xi32>
      %add3A_102 = arith.addi %add3A_72, %max3A_101 : vector<16xi32>
      %get3A_103 = arith.constant 48 : index
      %get3A_104 = tpu.vector_load %arg5[%get3A_103] {strides = array<i32>} : memref<5120xi32, #tpu.memory_space<vmem>>, vector<16xi32>,
      %get3A_105 = arith.constant 560 : index
      %get3A_106 = tpu.vector_load %arg5[%get3A_105] {strides = array<i32>} : memref<5120xi32, #tpu.memory_space<vmem>>, vector<16xi32>,
      %max3A_107 = arith.maxsi %get3A_104, %get3A_106 : vector<16xi32>
      %get3A_108 = arith.constant 1072 : index
      %get3A_109 = tpu.vector_load %arg5[%get3A_108] {strides = array<i32>} : memref<5120xi32, #tpu.memory_space<vmem>>, vector<16xi32>,
      %max3A_110 = arith.maxsi %max3A_107, %get3A_109 : vector<16xi32>
      %get3A_111 = arith.constant 1584 : index
      %get3A_112 = tpu.vector_load %arg5[%get3A_111] {strides = array<i32>} : memref<5120xi32, #tpu.memory_space<vmem>>, vector<16xi32>,
      %max3A_113 = arith.maxsi %max3A_110, %get3A_112 : vector<16xi32>
      %get3A_114 = arith.constant 2096 : index
      %get3A_115 = tpu.vector_load %arg5[%get3A_114] {strides = array<i32>} : memref<5120xi32, #tpu.memory_space<vmem>>, vector<16xi32>,
      %max3A_116 = arith.maxsi %max3A_113, %get3A_115 : vector<16xi32>
      %get3A_117 = arith.constant 2608 : index
      %get3A_118 = tpu.vector_load %arg5[%get3A_117] {strides = array<i32>} : memref<5120xi32, #tpu.memory_space<vmem>>, vector<16xi32>,
      %max3A_119 = arith.maxsi %max3A_116, %get3A_118 : vector<16xi32>
      %get3A_120 = arith.constant 3120 : index
      %get3A_121 = tpu.vector_load %arg5[%get3A_120] {strides = array<i32>} : memref<5120xi32, #tpu.memory_space<vmem>>, vector<16xi32>,
      %max3A_122 = arith.maxsi %max3A_119, %get3A_121 : vector<16xi32>
      %get3A_123 = arith.constant 3632 : index
      %get3A_124 = tpu.vector_load %arg5[%get3A_123] {strides = array<i32>} : memref<5120xi32, #tpu.memory_space<vmem>>, vector<16xi32>,
      %max3A_125 = arith.maxsi %max3A_122, %get3A_124 : vector<16xi32>
      %get3A_126 = arith.constant 4144 : index
      %get3A_127 = tpu.vector_load %arg5[%get3A_126] {strides = array<i32>} : memref<5120xi32, #tpu.memory_space<vmem>>, vector<16xi32>,
      %max3A_128 = arith.maxsi %max3A_125, %get3A_127 : vector<16xi32>
      %get3A_129 = arith.constant 4656 : index
      %get3A_130 = tpu.vector_load %arg5[%get3A_129] {strides = array<i32>} : memref<5120xi32, #tpu.memory_space<vmem>>, vector<16xi32>,
      %max3A_131 = arith.maxsi %max3A_128, %get3A_130 : vector<16xi32>
      %add3A_132 = arith.addi %add3A_102, %max3A_131 : vector<16xi32>
      %get3A_133 = arith.constant 64 : index
      %get3A_134 = tpu.vector_load %arg5[%get3A_133] {strides = array<i32>} : memref<5120xi32, #tpu.memory_space<vmem>>, vector<16xi32>,
      %get3A_135 = arith.constant 576 : index
      %get3A_136 = tpu.vector_load %arg5[%get3A_135] {strides = array<i32>} : memref<5120xi32, #tpu.memory_space<vmem>>, vector<16xi32>,
      %max3A_137 = arith.maxsi %get3A_134, %get3A_136 : vector<16xi32>
      %get3A_138 = arith.constant 1088 : index
      %get3A_139 = tpu.vector_load %arg5[%get3A_138] {strides = array<i32>} : memref<5120xi32, #tpu.memory_space<vmem>>, vector<16xi32>,
      %max3A_140 = arith.maxsi %max3A_137, %get3A_139 : vector<16xi32>
      %get3A_141 = arith.constant 1600 : index
      %get3A_142 = tpu.vector_load %arg5[%get3A_141] {strides = array<i32>} : memref<5120xi32, #tpu.memory_space<vmem>>, vector<16xi32>,
      %max3A_143 = arith.maxsi %max3A_140, %get3A_142 : vector<16xi32>
      %get3A_144 = arith.constant 2112 : index
      %get3A_145 = tpu.vector_load %arg5[%get3A_144] {strides = array<i32>} : memref<5120xi32, #tpu.memory_space<vmem>>, vector<16xi32>,
      %max3A_146 = arith.maxsi %max3A_143, %get3A_145 : vector<16xi32>
      %get3A_147 = arith.constant 2624 : index
      %get3A_148 = tpu.vector_load %arg5[%get3A_147] {strides = array<i32>} : memref<5120xi32, #tpu.memory_space<vmem>>, vector<16xi32>,
      %max3A_149 = arith.maxsi %max3A_146, %get3A_148 : vector<16xi32>
      %get3A_150 = arith.constant 3136 : index
      %get3A_151 = tpu.vector_load %arg5[%get3A_150] {strides = array<i32>} : memref<5120xi32, #tpu.memory_space<vmem>>, vector<16xi32>,
      %max3A_152 = arith.maxsi %max3A_149, %get3A_151 : vector<16xi32>
      %get3A_153 = arith.constant 3648 : index
      %get3A_154 = tpu.vector_load %arg5[%get3A_153] {strides = array<i32>} : memref<5120xi32, #tpu.memory_space<vmem>>, vector<16xi32>,
      %max3A_155 = arith.maxsi %max3A_152, %get3A_154 : vector<16xi32>
      %get3A_156 = arith.constant 4160 : index
      %get3A_157 = tpu.vector_load %arg5[%get3A_156] {strides = array<i32>} : memref<5120xi32, #tpu.memory_space<vmem>>, vector<16xi32>,
      %max3A_158 = arith.maxsi %max3A_155, %get3A_157 : vector<16xi32>
      %get3A_159 = arith.constant 4672 : index
      %get3A_160 = tpu.vector_load %arg5[%get3A_159] {strides = array<i32>} : memref<5120xi32, #tpu.memory_space<vmem>>, vector<16xi32>,
      %max3A_161 = arith.maxsi %max3A_158, %get3A_160 : vector<16xi32>
      %add3A_162 = arith.addi %add3A_132, %max3A_161 : vector<16xi32>
      %get3A_163 = arith.constant 80 : index
      %get3A_164 = tpu.vector_load %arg5[%get3A_163] {strides = array<i32>} : memref<5120xi32, #tpu.memory_space<vmem>>, vector<16xi32>,
      %get3A_165 = arith.constant 592 : index
      %get3A_166 = tpu.vector_load %arg5[%get3A_165] {strides = array<i32>} : memref<5120xi32, #tpu.memory_space<vmem>>, vector<16xi32>,
      %max3A_167 = arith.maxsi %get3A_164, %get3A_166 : vector<16xi32>
      %get3A_168 = arith.constant 1104 : index
      %get3A_169 = tpu.vector_load %arg5[%get3A_168] {strides = array<i32>} : memref<5120xi32, #tpu.memory_space<vmem>>, vector<16xi32>,
      %max3A_170 = arith.maxsi %max3A_167, %get3A_169 : vector<16xi32>
      %get3A_171 = arith.constant 1616 : index
      %get3A_172 = tpu.vector_load %arg5[%get3A_171] {strides = array<i32>} : memref<5120xi32, #tpu.memory_space<vmem>>, vector<16xi32>,
      %max3A_173 = arith.maxsi %max3A_170, %get3A_172 : vector<16xi32>
      %get3A_174 = arith.constant 2128 : index
      %get3A_175 = tpu.vector_load %arg5[%get3A_174] {strides = array<i32>} : memref<5120xi32, #tpu.memory_space<vmem>>, vector<16xi32>,
      %max3A_176 = arith.maxsi %max3A_173, %get3A_175 : vector<16xi32>
      %get3A_177 = arith.constant 2640 : index
      %get3A_178 = tpu.vector_load %arg5[%get3A_177] {strides = array<i32>} : memref<5120xi32, #tpu.memory_space<vmem>>, vector<16xi32>,
      %max3A_179 = arith.maxsi %max3A_176, %get3A_178 : vector<16xi32>
      %get3A_180 = arith.constant 3152 : index
      %get3A_181 = tpu.vector_load %arg5[%get3A_180] {strides = array<i32>} : memref<5120xi32, #tpu.memory_space<vmem>>, vector<16xi32>,
      %max3A_182 = arith.maxsi %max3A_179, %get3A_181 : vector<16xi32>
      %get3A_183 = arith.constant 3664 : index
      %get3A_184 = tpu.vector_load %arg5[%get3A_183] {strides = array<i32>} : memref<5120xi32, #tpu.memory_space<vmem>>, vector<16xi32>,
      %max3A_185 = arith.maxsi %max3A_182, %get3A_184 : vector<16xi32>
      %get3A_186 = arith.constant 4176 : index
      %get3A_187 = tpu.vector_load %arg5[%get3A_186] {strides = array<i32>} : memref<5120xi32, #tpu.memory_space<vmem>>, vector<16xi32>,
      %max3A_188 = arith.maxsi %max3A_185, %get3A_187 : vector<16xi32>
      %get3A_189 = arith.constant 4688 : index
      %get3A_190 = tpu.vector_load %arg5[%get3A_189] {strides = array<i32>} : memref<5120xi32, #tpu.memory_space<vmem>>, vector<16xi32>,
      %max3A_191 = arith.maxsi %max3A_188, %get3A_190 : vector<16xi32>
      %add3A_192 = arith.addi %add3A_162, %max3A_191 : vector<16xi32>
      %get3A_193 = arith.constant 96 : index
      %get3A_194 = tpu.vector_load %arg5[%get3A_193] {strides = array<i32>} : memref<5120xi32, #tpu.memory_space<vmem>>, vector<16xi32>,
      %get3A_195 = arith.constant 608 : index
      %get3A_196 = tpu.vector_load %arg5[%get3A_195] {strides = array<i32>} : memref<5120xi32, #tpu.memory_space<vmem>>, vector<16xi32>,
      %max3A_197 = arith.maxsi %get3A_194, %get3A_196 : vector<16xi32>
      %get3A_198 = arith.constant 1120 : index
      %get3A_199 = tpu.vector_load %arg5[%get3A_198] {strides = array<i32>} : memref<5120xi32, #tpu.memory_space<vmem>>, vector<16xi32>,
      %max3A_200 = arith.maxsi %max3A_197, %get3A_199 : vector<16xi32>
      %get3A_201 = arith.constant 1632 : index
      %get3A_202 = tpu.vector_load %arg5[%get3A_201] {strides = array<i32>} : memref<5120xi32, #tpu.memory_space<vmem>>, vector<16xi32>,
      %max3A_203 = arith.maxsi %max3A_200, %get3A_202 : vector<16xi32>
      %get3A_204 = arith.constant 2144 : index
      %get3A_205 = tpu.vector_load %arg5[%get3A_204] {strides = array<i32>} : memref<5120xi32, #tpu.memory_space<vmem>>, vector<16xi32>,
      %max3A_206 = arith.maxsi %max3A_203, %get3A_205 : vector<16xi32>
      %get3A_207 = arith.constant 2656 : index
      %get3A_208 = tpu.vector_load %arg5[%get3A_207] {strides = array<i32>} : memref<5120xi32, #tpu.memory_space<vmem>>, vector<16xi32>,
      %max3A_209 = arith.maxsi %max3A_206, %get3A_208 : vector<16xi32>
      %get3A_210 = arith.constant 3168 : index
      %get3A_211 = tpu.vector_load %arg5[%get3A_210] {strides = array<i32>} : memref<5120xi32, #tpu.memory_space<vmem>>, vector<16xi32>,
      %max3A_212 = arith.maxsi %max3A_209, %get3A_211 : vector<16xi32>
      %get3A_213 = arith.constant 3680 : index
      %get3A_214 = tpu.vector_load %arg5[%get3A_213] {strides = array<i32>} : memref<5120xi32, #tpu.memory_space<vmem>>, vector<16xi32>,
      %max3A_215 = arith.maxsi %max3A_212, %get3A_214 : vector<16xi32>
      %get3A_216 = arith.constant 4192 : index
      %get3A_217 = tpu.vector_load %arg5[%get3A_216] {strides = array<i32>} : memref<5120xi32, #tpu.memory_space<vmem>>, vector<16xi32>,
      %max3A_218 = arith.maxsi %max3A_215, %get3A_217 : vector<16xi32>
      %get3A_219 = arith.constant 4704 : index
      %get3A_220 = tpu.vector_load %arg5[%get3A_219] {strides = array<i32>} : memref<5120xi32, #tpu.memory_space<vmem>>, vector<16xi32>,
      %max3A_221 = arith.maxsi %max3A_218, %get3A_220 : vector<16xi32>
      %add3A_222 = arith.addi %add3A_192, %max3A_221 : vector<16xi32>
      %get3A_223 = arith.constant 112 : index
      %get3A_224 = tpu.vector_load %arg5[%get3A_223] {strides = array<i32>} : memref<5120xi32, #tpu.memory_space<vmem>>, vector<16xi32>,
      %get3A_225 = arith.constant 624 : index
      %get3A_226 = tpu.vector_load %arg5[%get3A_225] {strides = array<i32>} : memref<5120xi32, #tpu.memory_space<vmem>>, vector<16xi32>,
      %max3A_227 = arith.maxsi %get3A_224, %get3A_226 : vector<16xi32>
      %get3A_228 = arith.constant 1136 : index
      %get3A_229 = tpu.vector_load %arg5[%get3A_228] {strides = array<i32>} : memref<5120xi32, #tpu.memory_space<vmem>>, vector<16xi32>,
      %max3A_230 = arith.maxsi %max3A_227, %get3A_229 : vector<16xi32>
      %get3A_231 = arith.constant 1648 : index
      %get3A_232 = tpu.vector_load %arg5[%get3A_231] {strides = array<i32>} : memref<5120xi32, #tpu.memory_space<vmem>>, vector<16xi32>,
      %max3A_233 = arith.maxsi %max3A_230, %get3A_232 : vector<16xi32>
      %get3A_234 = arith.constant 2160 : index
      %get3A_235 = tpu.vector_load %arg5[%get3A_234] {strides = array<i32>} : memref<5120xi32, #tpu.memory_space<vmem>>, vector<16xi32>,
      %max3A_236 = arith.maxsi %max3A_233, %get3A_235 : vector<16xi32>
      %get3A_237 = arith.constant 2672 : index
      %get3A_238 = tpu.vector_load %arg5[%get3A_237] {strides = array<i32>} : memref<5120xi32, #tpu.memory_space<vmem>>, vector<16xi32>,
      %max3A_239 = arith.maxsi %max3A_236, %get3A_238 : vector<16xi32>
      %get3A_240 = arith.constant 3184 : index
      %get3A_241 = tpu.vector_load %arg5[%get3A_240] {strides = array<i32>} : memref<5120xi32, #tpu.memory_space<vmem>>, vector<16xi32>,
      %max3A_242 = arith.maxsi %max3A_239, %get3A_241 : vector<16xi32>
      %get3A_243 = arith.constant 3696 : index
      %get3A_244 = tpu.vector_load %arg5[%get3A_243] {strides = array<i32>} : memref<5120xi32, #tpu.memory_space<vmem>>, vector<16xi32>,
      %max3A_245 = arith.maxsi %max3A_242, %get3A_244 : vector<16xi32>
      %get3A_246 = arith.constant 4208 : index
      %get3A_247 = tpu.vector_load %arg5[%get3A_246] {strides = array<i32>} : memref<5120xi32, #tpu.memory_space<vmem>>, vector<16xi32>,
      %max3A_248 = arith.maxsi %max3A_245, %get3A_247 : vector<16xi32>
      %get3A_249 = arith.constant 4720 : index
      %get3A_250 = tpu.vector_load %arg5[%get3A_249] {strides = array<i32>} : memref<5120xi32, #tpu.memory_space<vmem>>, vector<16xi32>,
      %max3A_251 = arith.maxsi %max3A_248, %get3A_250 : vector<16xi32>
      %add3A_252 = arith.addi %add3A_222, %max3A_251 : vector<16xi32>
      %get3A_253 = arith.constant 128 : index
      %get3A_254 = tpu.vector_load %arg5[%get3A_253] {strides = array<i32>} : memref<5120xi32, #tpu.memory_space<vmem>>, vector<16xi32>,
      %get3A_255 = arith.constant 640 : index
      %get3A_256 = tpu.vector_load %arg5[%get3A_255] {strides = array<i32>} : memref<5120xi32, #tpu.memory_space<vmem>>, vector<16xi32>,
      %max3A_257 = arith.maxsi %get3A_254, %get3A_256 : vector<16xi32>
      %get3A_258 = arith.constant 1152 : index
      %get3A_259 = tpu.vector_load %arg5[%get3A_258] {strides = array<i32>} : memref<5120xi32, #tpu.memory_space<vmem>>, vector<16xi32>,
      %max3A_260 = arith.maxsi %max3A_257, %get3A_259 : vector<16xi32>
      %get3A_261 = arith.constant 1664 : index
      %get3A_262 = tpu.vector_load %arg5[%get3A_261] {strides = array<i32>} : memref<5120xi32, #tpu.memory_space<vmem>>, vector<16xi32>,
      %max3A_263 = arith.maxsi %max3A_260, %get3A_262 : vector<16xi32>
      %get3A_264 = arith.constant 2176 : index
      %get3A_265 = tpu.vector_load %arg5[%get3A_264] {strides = array<i32>} : memref<5120xi32, #tpu.memory_space<vmem>>, vector<16xi32>,
      %max3A_266 = arith.maxsi %max3A_263, %get3A_265 : vector<16xi32>
      %get3A_267 = arith.constant 2688 : index
      %get3A_268 = tpu.vector_load %arg5[%get3A_267] {strides = array<i32>} : memref<5120xi32, #tpu.memory_space<vmem>>, vector<16xi32>,
      %max3A_269 = arith.maxsi %max3A_266, %get3A_268 : vector<16xi32>
      %get3A_270 = arith.constant 3200 : index
      %get3A_271 = tpu.vector_load %arg5[%get3A_270] {strides = array<i32>} : memref<5120xi32, #tpu.memory_space<vmem>>, vector<16xi32>,
      %max3A_272 = arith.maxsi %max3A_269, %get3A_271 : vector<16xi32>
      %get3A_273 = arith.constant 3712 : index
      %get3A_274 = tpu.vector_load %arg5[%get3A_273] {strides = array<i32>} : memref<5120xi32, #tpu.memory_space<vmem>>, vector<16xi32>,
      %max3A_275 = arith.maxsi %max3A_272, %get3A_274 : vector<16xi32>
      %get3A_276 = arith.constant 4224 : index
      %get3A_277 = tpu.vector_load %arg5[%get3A_276] {strides = array<i32>} : memref<5120xi32, #tpu.memory_space<vmem>>, vector<16xi32>,
      %max3A_278 = arith.maxsi %max3A_275, %get3A_277 : vector<16xi32>
      %get3A_279 = arith.constant 4736 : index
      %get3A_280 = tpu.vector_load %arg5[%get3A_279] {strides = array<i32>} : memref<5120xi32, #tpu.memory_space<vmem>>, vector<16xi32>,
      %max3A_281 = arith.maxsi %max3A_278, %get3A_280 : vector<16xi32>
      %add3A_282 = arith.addi %add3A_252, %max3A_281 : vector<16xi32>
      %get3A_283 = arith.constant 144 : index
      %get3A_284 = tpu.vector_load %arg5[%get3A_283] {strides = array<i32>} : memref<5120xi32, #tpu.memory_space<vmem>>, vector<16xi32>,
      %get3A_285 = arith.constant 656 : index
      %get3A_286 = tpu.vector_load %arg5[%get3A_285] {strides = array<i32>} : memref<5120xi32, #tpu.memory_space<vmem>>, vector<16xi32>,
      %max3A_287 = arith.maxsi %get3A_284, %get3A_286 : vector<16xi32>
      %get3A_288 = arith.constant 1168 : index
      %get3A_289 = tpu.vector_load %arg5[%get3A_288] {strides = array<i32>} : memref<5120xi32, #tpu.memory_space<vmem>>, vector<16xi32>,
      %max3A_290 = arith.maxsi %max3A_287, %get3A_289 : vector<16xi32>
      %get3A_291 = arith.constant 1680 : index
      %get3A_292 = tpu.vector_load %arg5[%get3A_291] {strides = array<i32>} : memref<5120xi32, #tpu.memory_space<vmem>>, vector<16xi32>,
      %max3A_293 = arith.maxsi %max3A_290, %get3A_292 : vector<16xi32>
      %get3A_294 = arith.constant 2192 : index
      %get3A_295 = tpu.vector_load %arg5[%get3A_294] {strides = array<i32>} : memref<5120xi32, #tpu.memory_space<vmem>>, vector<16xi32>,
      %max3A_296 = arith.maxsi %max3A_293, %get3A_295 : vector<16xi32>
      %get3A_297 = arith.constant 2704 : index
      %get3A_298 = tpu.vector_load %arg5[%get3A_297] {strides = array<i32>} : memref<5120xi32, #tpu.memory_space<vmem>>, vector<16xi32>,
      %max3A_299 = arith.maxsi %max3A_296, %get3A_298 : vector<16xi32>
      %get3A_300 = arith.constant 3216 : index
      %get3A_301 = tpu.vector_load %arg5[%get3A_300] {strides = array<i32>} : memref<5120xi32, #tpu.memory_space<vmem>>, vector<16xi32>,
      %max3A_302 = arith.maxsi %max3A_299, %get3A_301 : vector<16xi32>
      %get3A_303 = arith.constant 3728 : index
      %get3A_304 = tpu.vector_load %arg5[%get3A_303] {strides = array<i32>} : memref<5120xi32, #tpu.memory_space<vmem>>, vector<16xi32>,
      %max3A_305 = arith.maxsi %max3A_302, %get3A_304 : vector<16xi32>
      %get3A_306 = arith.constant 4240 : index
      %get3A_307 = tpu.vector_load %arg5[%get3A_306] {strides = array<i32>} : memref<5120xi32, #tpu.memory_space<vmem>>, vector<16xi32>,
      %max3A_308 = arith.maxsi %max3A_305, %get3A_307 : vector<16xi32>
      %get3A_309 = arith.constant 4752 : index
      %get3A_310 = tpu.vector_load %arg5[%get3A_309] {strides = array<i32>} : memref<5120xi32, #tpu.memory_space<vmem>>, vector<16xi32>,
      %max3A_311 = arith.maxsi %max3A_308, %get3A_310 : vector<16xi32>
      %add3A_312 = arith.addi %add3A_282, %max3A_311 : vector<16xi32>
      %get3A_313 = arith.constant 160 : index
      %get3A_314 = tpu.vector_load %arg5[%get3A_313] {strides = array<i32>} : memref<5120xi32, #tpu.memory_space<vmem>>, vector<16xi32>,
      %get3A_315 = arith.constant 672 : index
      %get3A_316 = tpu.vector_load %arg5[%get3A_315] {strides = array<i32>} : memref<5120xi32, #tpu.memory_space<vmem>>, vector<16xi32>,
      %max3A_317 = arith.maxsi %get3A_314, %get3A_316 : vector<16xi32>
      %get3A_318 = arith.constant 1184 : index
      %get3A_319 = tpu.vector_load %arg5[%get3A_318] {strides = array<i32>} : memref<5120xi32, #tpu.memory_space<vmem>>, vector<16xi32>,
      %max3A_320 = arith.maxsi %max3A_317, %get3A_319 : vector<16xi32>
      %get3A_321 = arith.constant 1696 : index
      %get3A_322 = tpu.vector_load %arg5[%get3A_321] {strides = array<i32>} : memref<5120xi32, #tpu.memory_space<vmem>>, vector<16xi32>,
      %max3A_323 = arith.maxsi %max3A_320, %get3A_322 : vector<16xi32>
      %get3A_324 = arith.constant 2208 : index
      %get3A_325 = tpu.vector_load %arg5[%get3A_324] {strides = array<i32>} : memref<5120xi32, #tpu.memory_space<vmem>>, vector<16xi32>,
      %max3A_326 = arith.maxsi %max3A_323, %get3A_325 : vector<16xi32>
      %get3A_327 = arith.constant 2720 : index
      %get3A_328 = tpu.vector_load %arg5[%get3A_327] {strides = array<i32>} : memref<5120xi32, #tpu.memory_space<vmem>>, vector<16xi32>,
      %max3A_329 = arith.maxsi %max3A_326, %get3A_328 : vector<16xi32>
      %get3A_330 = arith.constant 3232 : index
      %get3A_331 = tpu.vector_load %arg5[%get3A_330] {strides = array<i32>} : memref<5120xi32, #tpu.memory_space<vmem>>, vector<16xi32>,
      %max3A_332 = arith.maxsi %max3A_329, %get3A_331 : vector<16xi32>
      %get3A_333 = arith.constant 3744 : index
      %get3A_334 = tpu.vector_load %arg5[%get3A_333] {strides = array<i32>} : memref<5120xi32, #tpu.memory_space<vmem>>, vector<16xi32>,
      %max3A_335 = arith.maxsi %max3A_332, %get3A_334 : vector<16xi32>
      %get3A_336 = arith.constant 4256 : index
      %get3A_337 = tpu.vector_load %arg5[%get3A_336] {strides = array<i32>} : memref<5120xi32, #tpu.memory_space<vmem>>, vector<16xi32>,
      %max3A_338 = arith.maxsi %max3A_335, %get3A_337 : vector<16xi32>
      %get3A_339 = arith.constant 4768 : index
      %get3A_340 = tpu.vector_load %arg5[%get3A_339] {strides = array<i32>} : memref<5120xi32, #tpu.memory_space<vmem>>, vector<16xi32>,
      %max3A_341 = arith.maxsi %max3A_338, %get3A_340 : vector<16xi32>
      %add3A_342 = arith.addi %add3A_312, %max3A_341 : vector<16xi32>
      %get3A_343 = arith.constant 176 : index
      %get3A_344 = tpu.vector_load %arg5[%get3A_343] {strides = array<i32>} : memref<5120xi32, #tpu.memory_space<vmem>>, vector<16xi32>,
      %get3A_345 = arith.constant 688 : index
      %get3A_346 = tpu.vector_load %arg5[%get3A_345] {strides = array<i32>} : memref<5120xi32, #tpu.memory_space<vmem>>, vector<16xi32>,
      %max3A_347 = arith.maxsi %get3A_344, %get3A_346 : vector<16xi32>
      %get3A_348 = arith.constant 1200 : index
      %get3A_349 = tpu.vector_load %arg5[%get3A_348] {strides = array<i32>} : memref<5120xi32, #tpu.memory_space<vmem>>, vector<16xi32>,
      %max3A_350 = arith.maxsi %max3A_347, %get3A_349 : vector<16xi32>
      %get3A_351 = arith.constant 1712 : index
      %get3A_352 = tpu.vector_load %arg5[%get3A_351] {strides = array<i32>} : memref<5120xi32, #tpu.memory_space<vmem>>, vector<16xi32>,
      %max3A_353 = arith.maxsi %max3A_350, %get3A_352 : vector<16xi32>
      %get3A_354 = arith.constant 2224 : index
      %get3A_355 = tpu.vector_load %arg5[%get3A_354] {strides = array<i32>} : memref<5120xi32, #tpu.memory_space<vmem>>, vector<16xi32>,
      %max3A_356 = arith.maxsi %max3A_353, %get3A_355 : vector<16xi32>
      %get3A_357 = arith.constant 2736 : index
      %get3A_358 = tpu.vector_load %arg5[%get3A_357] {strides = array<i32>} : memref<5120xi32, #tpu.memory_space<vmem>>, vector<16xi32>,
      %max3A_359 = arith.maxsi %max3A_356, %get3A_358 : vector<16xi32>
      %get3A_360 = arith.constant 3248 : index
      %get3A_361 = tpu.vector_load %arg5[%get3A_360] {strides = array<i32>} : memref<5120xi32, #tpu.memory_space<vmem>>, vector<16xi32>,
      %max3A_362 = arith.maxsi %max3A_359, %get3A_361 : vector<16xi32>
      %get3A_363 = arith.constant 3760 : index
      %get3A_364 = tpu.vector_load %arg5[%get3A_363] {strides = array<i32>} : memref<5120xi32, #tpu.memory_space<vmem>>, vector<16xi32>,
      %max3A_365 = arith.maxsi %max3A_362, %get3A_364 : vector<16xi32>
      %get3A_366 = arith.constant 4272 : index
      %get3A_367 = tpu.vector_load %arg5[%get3A_366] {strides = array<i32>} : memref<5120xi32, #tpu.memory_space<vmem>>, vector<16xi32>,
      %max3A_368 = arith.maxsi %max3A_365, %get3A_367 : vector<16xi32>
      %get3A_369 = arith.constant 4784 : index
      %get3A_370 = tpu.vector_load %arg5[%get3A_369] {strides = array<i32>} : memref<5120xi32, #tpu.memory_space<vmem>>, vector<16xi32>,
      %max3A_371 = arith.maxsi %max3A_368, %get3A_370 : vector<16xi32>
      %add3A_372 = arith.addi %add3A_342, %max3A_371 : vector<16xi32>
      %get3A_373 = arith.constant 192 : index
      %get3A_374 = tpu.vector_load %arg5[%get3A_373] {strides = array<i32>} : memref<5120xi32, #tpu.memory_space<vmem>>, vector<16xi32>,
      %get3A_375 = arith.constant 704 : index
      %get3A_376 = tpu.vector_load %arg5[%get3A_375] {strides = array<i32>} : memref<5120xi32, #tpu.memory_space<vmem>>, vector<16xi32>,
      %max3A_377 = arith.maxsi %get3A_374, %get3A_376 : vector<16xi32>
      %get3A_378 = arith.constant 1216 : index
      %get3A_379 = tpu.vector_load %arg5[%get3A_378] {strides = array<i32>} : memref<5120xi32, #tpu.memory_space<vmem>>, vector<16xi32>,
      %max3A_380 = arith.maxsi %max3A_377, %get3A_379 : vector<16xi32>
      %get3A_381 = arith.constant 1728 : index
      %get3A_382 = tpu.vector_load %arg5[%get3A_381] {strides = array<i32>} : memref<5120xi32, #tpu.memory_space<vmem>>, vector<16xi32>,
      %max3A_383 = arith.maxsi %max3A_380, %get3A_382 : vector<16xi32>
      %get3A_384 = arith.constant 2240 : index
      %get3A_385 = tpu.vector_load %arg5[%get3A_384] {strides = array<i32>} : memref<5120xi32, #tpu.memory_space<vmem>>, vector<16xi32>,
      %max3A_386 = arith.maxsi %max3A_383, %get3A_385 : vector<16xi32>
      %get3A_387 = arith.constant 2752 : index
      %get3A_388 = tpu.vector_load %arg5[%get3A_387] {strides = array<i32>} : memref<5120xi32, #tpu.memory_space<vmem>>, vector<16xi32>,
      %max3A_389 = arith.maxsi %max3A_386, %get3A_388 : vector<16xi32>
      %get3A_390 = arith.constant 3264 : index
      %get3A_391 = tpu.vector_load %arg5[%get3A_390] {strides = array<i32>} : memref<5120xi32, #tpu.memory_space<vmem>>, vector<16xi32>,
      %max3A_392 = arith.maxsi %max3A_389, %get3A_391 : vector<16xi32>
      %get3A_393 = arith.constant 3776 : index
      %get3A_394 = tpu.vector_load %arg5[%get3A_393] {strides = array<i32>} : memref<5120xi32, #tpu.memory_space<vmem>>, vector<16xi32>,
      %max3A_395 = arith.maxsi %max3A_392, %get3A_394 : vector<16xi32>
      %get3A_396 = arith.constant 4288 : index
      %get3A_397 = tpu.vector_load %arg5[%get3A_396] {strides = array<i32>} : memref<5120xi32, #tpu.memory_space<vmem>>, vector<16xi32>,
      %max3A_398 = arith.maxsi %max3A_395, %get3A_397 : vector<16xi32>
      %get3A_399 = arith.constant 4800 : index
      %get3A_400 = tpu.vector_load %arg5[%get3A_399] {strides = array<i32>} : memref<5120xi32, #tpu.memory_space<vmem>>, vector<16xi32>,
      %max3A_401 = arith.maxsi %max3A_398, %get3A_400 : vector<16xi32>
      %add3A_402 = arith.addi %add3A_372, %max3A_401 : vector<16xi32>
      %get3A_403 = arith.constant 208 : index
      %get3A_404 = tpu.vector_load %arg5[%get3A_403] {strides = array<i32>} : memref<5120xi32, #tpu.memory_space<vmem>>, vector<16xi32>,
      %get3A_405 = arith.constant 720 : index
      %get3A_406 = tpu.vector_load %arg5[%get3A_405] {strides = array<i32>} : memref<5120xi32, #tpu.memory_space<vmem>>, vector<16xi32>,
      %max3A_407 = arith.maxsi %get3A_404, %get3A_406 : vector<16xi32>
      %get3A_408 = arith.constant 1232 : index
      %get3A_409 = tpu.vector_load %arg5[%get3A_408] {strides = array<i32>} : memref<5120xi32, #tpu.memory_space<vmem>>, vector<16xi32>,
      %max3A_410 = arith.maxsi %max3A_407, %get3A_409 : vector<16xi32>
      %get3A_411 = arith.constant 1744 : index
      %get3A_412 = tpu.vector_load %arg5[%get3A_411] {strides = array<i32>} : memref<5120xi32, #tpu.memory_space<vmem>>, vector<16xi32>,
      %max3A_413 = arith.maxsi %max3A_410, %get3A_412 : vector<16xi32>
      %get3A_414 = arith.constant 2256 : index
      %get3A_415 = tpu.vector_load %arg5[%get3A_414] {strides = array<i32>} : memref<5120xi32, #tpu.memory_space<vmem>>, vector<16xi32>,
      %max3A_416 = arith.maxsi %max3A_413, %get3A_415 : vector<16xi32>
      %get3A_417 = arith.constant 2768 : index
      %get3A_418 = tpu.vector_load %arg5[%get3A_417] {strides = array<i32>} : memref<5120xi32, #tpu.memory_space<vmem>>, vector<16xi32>,
      %max3A_419 = arith.maxsi %max3A_416, %get3A_418 : vector<16xi32>
      %get3A_420 = arith.constant 3280 : index
      %get3A_421 = tpu.vector_load %arg5[%get3A_420] {strides = array<i32>} : memref<5120xi32, #tpu.memory_space<vmem>>, vector<16xi32>,
      %max3A_422 = arith.maxsi %max3A_419, %get3A_421 : vector<16xi32>
      %get3A_423 = arith.constant 3792 : index
      %get3A_424 = tpu.vector_load %arg5[%get3A_423] {strides = array<i32>} : memref<5120xi32, #tpu.memory_space<vmem>>, vector<16xi32>,
      %max3A_425 = arith.maxsi %max3A_422, %get3A_424 : vector<16xi32>
      %get3A_426 = arith.constant 4304 : index
      %get3A_427 = tpu.vector_load %arg5[%get3A_426] {strides = array<i32>} : memref<5120xi32, #tpu.memory_space<vmem>>, vector<16xi32>,
      %max3A_428 = arith.maxsi %max3A_425, %get3A_427 : vector<16xi32>
      %get3A_429 = arith.constant 4816 : index
      %get3A_430 = tpu.vector_load %arg5[%get3A_429] {strides = array<i32>} : memref<5120xi32, #tpu.memory_space<vmem>>, vector<16xi32>,
      %max3A_431 = arith.maxsi %max3A_428, %get3A_430 : vector<16xi32>
      %add3A_432 = arith.addi %add3A_402, %max3A_431 : vector<16xi32>
      %get3A_433 = arith.constant 224 : index
      %get3A_434 = tpu.vector_load %arg5[%get3A_433] {strides = array<i32>} : memref<5120xi32, #tpu.memory_space<vmem>>, vector<16xi32>,
      %get3A_435 = arith.constant 736 : index
      %get3A_436 = tpu.vector_load %arg5[%get3A_435] {strides = array<i32>} : memref<5120xi32, #tpu.memory_space<vmem>>, vector<16xi32>,
      %max3A_437 = arith.maxsi %get3A_434, %get3A_436 : vector<16xi32>
      %get3A_438 = arith.constant 1248 : index
      %get3A_439 = tpu.vector_load %arg5[%get3A_438] {strides = array<i32>} : memref<5120xi32, #tpu.memory_space<vmem>>, vector<16xi32>,
      %max3A_440 = arith.maxsi %max3A_437, %get3A_439 : vector<16xi32>
      %get3A_441 = arith.constant 1760 : index
      %get3A_442 = tpu.vector_load %arg5[%get3A_441] {strides = array<i32>} : memref<5120xi32, #tpu.memory_space<vmem>>, vector<16xi32>,
      %max3A_443 = arith.maxsi %max3A_440, %get3A_442 : vector<16xi32>
      %get3A_444 = arith.constant 2272 : index
      %get3A_445 = tpu.vector_load %arg5[%get3A_444] {strides = array<i32>} : memref<5120xi32, #tpu.memory_space<vmem>>, vector<16xi32>,
      %max3A_446 = arith.maxsi %max3A_443, %get3A_445 : vector<16xi32>
      %get3A_447 = arith.constant 2784 : index
      %get3A_448 = tpu.vector_load %arg5[%get3A_447] {strides = array<i32>} : memref<5120xi32, #tpu.memory_space<vmem>>, vector<16xi32>,
      %max3A_449 = arith.maxsi %max3A_446, %get3A_448 : vector<16xi32>
      %get3A_450 = arith.constant 3296 : index
      %get3A_451 = tpu.vector_load %arg5[%get3A_450] {strides = array<i32>} : memref<5120xi32, #tpu.memory_space<vmem>>, vector<16xi32>,
      %max3A_452 = arith.maxsi %max3A_449, %get3A_451 : vector<16xi32>
      %get3A_453 = arith.constant 3808 : index
      %get3A_454 = tpu.vector_load %arg5[%get3A_453] {strides = array<i32>} : memref<5120xi32, #tpu.memory_space<vmem>>, vector<16xi32>,
      %max3A_455 = arith.maxsi %max3A_452, %get3A_454 : vector<16xi32>
      %get3A_456 = arith.constant 4320 : index
      %get3A_457 = tpu.vector_load %arg5[%get3A_456] {strides = array<i32>} : memref<5120xi32, #tpu.memory_space<vmem>>, vector<16xi32>,
      %max3A_458 = arith.maxsi %max3A_455, %get3A_457 : vector<16xi32>
      %get3A_459 = arith.constant 4832 : index
      %get3A_460 = tpu.vector_load %arg5[%get3A_459] {strides = array<i32>} : memref<5120xi32, #tpu.memory_space<vmem>>, vector<16xi32>,
      %max3A_461 = arith.maxsi %max3A_458, %get3A_460 : vector<16xi32>
      %add3A_462 = arith.addi %add3A_432, %max3A_461 : vector<16xi32>
      %get3A_463 = arith.constant 240 : index
      %get3A_464 = tpu.vector_load %arg5[%get3A_463] {strides = array<i32>} : memref<5120xi32, #tpu.memory_space<vmem>>, vector<16xi32>,
      %get3A_465 = arith.constant 752 : index
      %get3A_466 = tpu.vector_load %arg5[%get3A_465] {strides = array<i32>} : memref<5120xi32, #tpu.memory_space<vmem>>, vector<16xi32>,
      %max3A_467 = arith.maxsi %get3A_464, %get3A_466 : vector<16xi32>
      %get3A_468 = arith.constant 1264 : index
      %get3A_469 = tpu.vector_load %arg5[%get3A_468] {strides = array<i32>} : memref<5120xi32, #tpu.memory_space<vmem>>, vector<16xi32>,
      %max3A_470 = arith.maxsi %max3A_467, %get3A_469 : vector<16xi32>
      %get3A_471 = arith.constant 1776 : index
      %get3A_472 = tpu.vector_load %arg5[%get3A_471] {strides = array<i32>} : memref<5120xi32, #tpu.memory_space<vmem>>, vector<16xi32>,
      %max3A_473 = arith.maxsi %max3A_470, %get3A_472 : vector<16xi32>
      %get3A_474 = arith.constant 2288 : index
      %get3A_475 = tpu.vector_load %arg5[%get3A_474] {strides = array<i32>} : memref<5120xi32, #tpu.memory_space<vmem>>, vector<16xi32>,
      %max3A_476 = arith.maxsi %max3A_473, %get3A_475 : vector<16xi32>
      %get3A_477 = arith.constant 2800 : index
      %get3A_478 = tpu.vector_load %arg5[%get3A_477] {strides = array<i32>} : memref<5120xi32, #tpu.memory_space<vmem>>, vector<16xi32>,
      %max3A_479 = arith.maxsi %max3A_476, %get3A_478 : vector<16xi32>
      %get3A_480 = arith.constant 3312 : index
      %get3A_481 = tpu.vector_load %arg5[%get3A_480] {strides = array<i32>} : memref<5120xi32, #tpu.memory_space<vmem>>, vector<16xi32>,
      %max3A_482 = arith.maxsi %max3A_479, %get3A_481 : vector<16xi32>
      %get3A_483 = arith.constant 3824 : index
      %get3A_484 = tpu.vector_load %arg5[%get3A_483] {strides = array<i32>} : memref<5120xi32, #tpu.memory_space<vmem>>, vector<16xi32>,
      %max3A_485 = arith.maxsi %max3A_482, %get3A_484 : vector<16xi32>
      %get3A_486 = arith.constant 4336 : index
      %get3A_487 = tpu.vector_load %arg5[%get3A_486] {strides = array<i32>} : memref<5120xi32, #tpu.memory_space<vmem>>, vector<16xi32>,
      %max3A_488 = arith.maxsi %max3A_485, %get3A_487 : vector<16xi32>
      %get3A_489 = arith.constant 4848 : index
      %get3A_490 = tpu.vector_load %arg5[%get3A_489] {strides = array<i32>} : memref<5120xi32, #tpu.memory_space<vmem>>, vector<16xi32>,
      %max3A_491 = arith.maxsi %max3A_488, %get3A_490 : vector<16xi32>
      %add3A_492 = arith.addi %add3A_462, %max3A_491 : vector<16xi32>
      %get3A_493 = arith.constant 256 : index
      %get3A_494 = tpu.vector_load %arg5[%get3A_493] {strides = array<i32>} : memref<5120xi32, #tpu.memory_space<vmem>>, vector<16xi32>,
      %get3A_495 = arith.constant 768 : index
      %get3A_496 = tpu.vector_load %arg5[%get3A_495] {strides = array<i32>} : memref<5120xi32, #tpu.memory_space<vmem>>, vector<16xi32>,
      %max3A_497 = arith.maxsi %get3A_494, %get3A_496 : vector<16xi32>
      %get3A_498 = arith.constant 1280 : index
      %get3A_499 = tpu.vector_load %arg5[%get3A_498] {strides = array<i32>} : memref<5120xi32, #tpu.memory_space<vmem>>, vector<16xi32>,
      %max3A_500 = arith.maxsi %max3A_497, %get3A_499 : vector<16xi32>
      %get3A_501 = arith.constant 1792 : index
      %get3A_502 = tpu.vector_load %arg5[%get3A_501] {strides = array<i32>} : memref<5120xi32, #tpu.memory_space<vmem>>, vector<16xi32>,
      %max3A_503 = arith.maxsi %max3A_500, %get3A_502 : vector<16xi32>
      %get3A_504 = arith.constant 2304 : index
      %get3A_505 = tpu.vector_load %arg5[%get3A_504] {strides = array<i32>} : memref<5120xi32, #tpu.memory_space<vmem>>, vector<16xi32>,
      %max3A_506 = arith.maxsi %max3A_503, %get3A_505 : vector<16xi32>
      %get3A_507 = arith.constant 2816 : index
      %get3A_508 = tpu.vector_load %arg5[%get3A_507] {strides = array<i32>} : memref<5120xi32, #tpu.memory_space<vmem>>, vector<16xi32>,
      %max3A_509 = arith.maxsi %max3A_506, %get3A_508 : vector<16xi32>
      %get3A_510 = arith.constant 3328 : index
      %get3A_511 = tpu.vector_load %arg5[%get3A_510] {strides = array<i32>} : memref<5120xi32, #tpu.memory_space<vmem>>, vector<16xi32>,
      %max3A_512 = arith.maxsi %max3A_509, %get3A_511 : vector<16xi32>
      %get3A_513 = arith.constant 3840 : index
      %get3A_514 = tpu.vector_load %arg5[%get3A_513] {strides = array<i32>} : memref<5120xi32, #tpu.memory_space<vmem>>, vector<16xi32>,
      %max3A_515 = arith.maxsi %max3A_512, %get3A_514 : vector<16xi32>
      %get3A_516 = arith.constant 4352 : index
      %get3A_517 = tpu.vector_load %arg5[%get3A_516] {strides = array<i32>} : memref<5120xi32, #tpu.memory_space<vmem>>, vector<16xi32>,
      %max3A_518 = arith.maxsi %max3A_515, %get3A_517 : vector<16xi32>
      %get3A_519 = arith.constant 4864 : index
      %get3A_520 = tpu.vector_load %arg5[%get3A_519] {strides = array<i32>} : memref<5120xi32, #tpu.memory_space<vmem>>, vector<16xi32>,
      %max3A_521 = arith.maxsi %max3A_518, %get3A_520 : vector<16xi32>
      %add3A_522 = arith.addi %add3A_492, %max3A_521 : vector<16xi32>
      %get3A_523 = arith.constant 272 : index
      %get3A_524 = tpu.vector_load %arg5[%get3A_523] {strides = array<i32>} : memref<5120xi32, #tpu.memory_space<vmem>>, vector<16xi32>,
      %get3A_525 = arith.constant 784 : index
      %get3A_526 = tpu.vector_load %arg5[%get3A_525] {strides = array<i32>} : memref<5120xi32, #tpu.memory_space<vmem>>, vector<16xi32>,
      %max3A_527 = arith.maxsi %get3A_524, %get3A_526 : vector<16xi32>
      %get3A_528 = arith.constant 1296 : index
      %get3A_529 = tpu.vector_load %arg5[%get3A_528] {strides = array<i32>} : memref<5120xi32, #tpu.memory_space<vmem>>, vector<16xi32>,
      %max3A_530 = arith.maxsi %max3A_527, %get3A_529 : vector<16xi32>
      %get3A_531 = arith.constant 1808 : index
      %get3A_532 = tpu.vector_load %arg5[%get3A_531] {strides = array<i32>} : memref<5120xi32, #tpu.memory_space<vmem>>, vector<16xi32>,
      %max3A_533 = arith.maxsi %max3A_530, %get3A_532 : vector<16xi32>
      %get3A_534 = arith.constant 2320 : index
      %get3A_535 = tpu.vector_load %arg5[%get3A_534] {strides = array<i32>} : memref<5120xi32, #tpu.memory_space<vmem>>, vector<16xi32>,
      %max3A_536 = arith.maxsi %max3A_533, %get3A_535 : vector<16xi32>
      %get3A_537 = arith.constant 2832 : index
      %get3A_538 = tpu.vector_load %arg5[%get3A_537] {strides = array<i32>} : memref<5120xi32, #tpu.memory_space<vmem>>, vector<16xi32>,
      %max3A_539 = arith.maxsi %max3A_536, %get3A_538 : vector<16xi32>
      %get3A_540 = arith.constant 3344 : index
      %get3A_541 = tpu.vector_load %arg5[%get3A_540] {strides = array<i32>} : memref<5120xi32, #tpu.memory_space<vmem>>, vector<16xi32>,
      %max3A_542 = arith.maxsi %max3A_539, %get3A_541 : vector<16xi32>
      %get3A_543 = arith.constant 3856 : index
      %get3A_544 = tpu.vector_load %arg5[%get3A_543] {strides = array<i32>} : memref<5120xi32, #tpu.memory_space<vmem>>, vector<16xi32>,
      %max3A_545 = arith.maxsi %max3A_542, %get3A_544 : vector<16xi32>
      %get3A_546 = arith.constant 4368 : index
      %get3A_547 = tpu.vector_load %arg5[%get3A_546] {strides = array<i32>} : memref<5120xi32, #tpu.memory_space<vmem>>, vector<16xi32>,
      %max3A_548 = arith.maxsi %max3A_545, %get3A_547 : vector<16xi32>
      %get3A_549 = arith.constant 4880 : index
      %get3A_550 = tpu.vector_load %arg5[%get3A_549] {strides = array<i32>} : memref<5120xi32, #tpu.memory_space<vmem>>, vector<16xi32>,
      %max3A_551 = arith.maxsi %max3A_548, %get3A_550 : vector<16xi32>
      %add3A_552 = arith.addi %add3A_522, %max3A_551 : vector<16xi32>
      %get3A_553 = arith.constant 288 : index
      %get3A_554 = tpu.vector_load %arg5[%get3A_553] {strides = array<i32>} : memref<5120xi32, #tpu.memory_space<vmem>>, vector<16xi32>,
      %get3A_555 = arith.constant 800 : index
      %get3A_556 = tpu.vector_load %arg5[%get3A_555] {strides = array<i32>} : memref<5120xi32, #tpu.memory_space<vmem>>, vector<16xi32>,
      %max3A_557 = arith.maxsi %get3A_554, %get3A_556 : vector<16xi32>
      %get3A_558 = arith.constant 1312 : index
      %get3A_559 = tpu.vector_load %arg5[%get3A_558] {strides = array<i32>} : memref<5120xi32, #tpu.memory_space<vmem>>, vector<16xi32>,
      %max3A_560 = arith.maxsi %max3A_557, %get3A_559 : vector<16xi32>
      %get3A_561 = arith.constant 1824 : index
      %get3A_562 = tpu.vector_load %arg5[%get3A_561] {strides = array<i32>} : memref<5120xi32, #tpu.memory_space<vmem>>, vector<16xi32>,
      %max3A_563 = arith.maxsi %max3A_560, %get3A_562 : vector<16xi32>
      %get3A_564 = arith.constant 2336 : index
      %get3A_565 = tpu.vector_load %arg5[%get3A_564] {strides = array<i32>} : memref<5120xi32, #tpu.memory_space<vmem>>, vector<16xi32>,
      %max3A_566 = arith.maxsi %max3A_563, %get3A_565 : vector<16xi32>
      %get3A_567 = arith.constant 2848 : index
      %get3A_568 = tpu.vector_load %arg5[%get3A_567] {strides = array<i32>} : memref<5120xi32, #tpu.memory_space<vmem>>, vector<16xi32>,
      %max3A_569 = arith.maxsi %max3A_566, %get3A_568 : vector<16xi32>
      %get3A_570 = arith.constant 3360 : index
      %get3A_571 = tpu.vector_load %arg5[%get3A_570] {strides = array<i32>} : memref<5120xi32, #tpu.memory_space<vmem>>, vector<16xi32>,
      %max3A_572 = arith.maxsi %max3A_569, %get3A_571 : vector<16xi32>
      %get3A_573 = arith.constant 3872 : index
      %get3A_574 = tpu.vector_load %arg5[%get3A_573] {strides = array<i32>} : memref<5120xi32, #tpu.memory_space<vmem>>, vector<16xi32>,
      %max3A_575 = arith.maxsi %max3A_572, %get3A_574 : vector<16xi32>
      %get3A_576 = arith.constant 4384 : index
      %get3A_577 = tpu.vector_load %arg5[%get3A_576] {strides = array<i32>} : memref<5120xi32, #tpu.memory_space<vmem>>, vector<16xi32>,
      %max3A_578 = arith.maxsi %max3A_575, %get3A_577 : vector<16xi32>
      %get3A_579 = arith.constant 4896 : index
      %get3A_580 = tpu.vector_load %arg5[%get3A_579] {strides = array<i32>} : memref<5120xi32, #tpu.memory_space<vmem>>, vector<16xi32>,
      %max3A_581 = arith.maxsi %max3A_578, %get3A_580 : vector<16xi32>
      %add3A_582 = arith.addi %add3A_552, %max3A_581 : vector<16xi32>
      %get3A_583 = arith.constant 304 : index
      %get3A_584 = tpu.vector_load %arg5[%get3A_583] {strides = array<i32>} : memref<5120xi32, #tpu.memory_space<vmem>>, vector<16xi32>,
      %get3A_585 = arith.constant 816 : index
      %get3A_586 = tpu.vector_load %arg5[%get3A_585] {strides = array<i32>} : memref<5120xi32, #tpu.memory_space<vmem>>, vector<16xi32>,
      %max3A_587 = arith.maxsi %get3A_584, %get3A_586 : vector<16xi32>
      %get3A_588 = arith.constant 1328 : index
      %get3A_589 = tpu.vector_load %arg5[%get3A_588] {strides = array<i32>} : memref<5120xi32, #tpu.memory_space<vmem>>, vector<16xi32>,
      %max3A_590 = arith.maxsi %max3A_587, %get3A_589 : vector<16xi32>
      %get3A_591 = arith.constant 1840 : index
      %get3A_592 = tpu.vector_load %arg5[%get3A_591] {strides = array<i32>} : memref<5120xi32, #tpu.memory_space<vmem>>, vector<16xi32>,
      %max3A_593 = arith.maxsi %max3A_590, %get3A_592 : vector<16xi32>
      %get3A_594 = arith.constant 2352 : index
      %get3A_595 = tpu.vector_load %arg5[%get3A_594] {strides = array<i32>} : memref<5120xi32, #tpu.memory_space<vmem>>, vector<16xi32>,
      %max3A_596 = arith.maxsi %max3A_593, %get3A_595 : vector<16xi32>
      %get3A_597 = arith.constant 2864 : index
      %get3A_598 = tpu.vector_load %arg5[%get3A_597] {strides = array<i32>} : memref<5120xi32, #tpu.memory_space<vmem>>, vector<16xi32>,
      %max3A_599 = arith.maxsi %max3A_596, %get3A_598 : vector<16xi32>
      %get3A_600 = arith.constant 3376 : index
      %get3A_601 = tpu.vector_load %arg5[%get3A_600] {strides = array<i32>} : memref<5120xi32, #tpu.memory_space<vmem>>, vector<16xi32>,
      %max3A_602 = arith.maxsi %max3A_599, %get3A_601 : vector<16xi32>
      %get3A_603 = arith.constant 3888 : index
      %get3A_604 = tpu.vector_load %arg5[%get3A_603] {strides = array<i32>} : memref<5120xi32, #tpu.memory_space<vmem>>, vector<16xi32>,
      %max3A_605 = arith.maxsi %max3A_602, %get3A_604 : vector<16xi32>
      %get3A_606 = arith.constant 4400 : index
      %get3A_607 = tpu.vector_load %arg5[%get3A_606] {strides = array<i32>} : memref<5120xi32, #tpu.memory_space<vmem>>, vector<16xi32>,
      %max3A_608 = arith.maxsi %max3A_605, %get3A_607 : vector<16xi32>
      %get3A_609 = arith.constant 4912 : index
      %get3A_610 = tpu.vector_load %arg5[%get3A_609] {strides = array<i32>} : memref<5120xi32, #tpu.memory_space<vmem>>, vector<16xi32>,
      %max3A_611 = arith.maxsi %max3A_608, %get3A_610 : vector<16xi32>
      %add3A_612 = arith.addi %add3A_582, %max3A_611 : vector<16xi32>
      %get3A_613 = arith.constant 320 : index
      %get3A_614 = tpu.vector_load %arg5[%get3A_613] {strides = array<i32>} : memref<5120xi32, #tpu.memory_space<vmem>>, vector<16xi32>,
      %get3A_615 = arith.constant 832 : index
      %get3A_616 = tpu.vector_load %arg5[%get3A_615] {strides = array<i32>} : memref<5120xi32, #tpu.memory_space<vmem>>, vector<16xi32>,
      %max3A_617 = arith.maxsi %get3A_614, %get3A_616 : vector<16xi32>
      %get3A_618 = arith.constant 1344 : index
      %get3A_619 = tpu.vector_load %arg5[%get3A_618] {strides = array<i32>} : memref<5120xi32, #tpu.memory_space<vmem>>, vector<16xi32>,
      %max3A_620 = arith.maxsi %max3A_617, %get3A_619 : vector<16xi32>
      %get3A_621 = arith.constant 1856 : index
      %get3A_622 = tpu.vector_load %arg5[%get3A_621] {strides = array<i32>} : memref<5120xi32, #tpu.memory_space<vmem>>, vector<16xi32>,
      %max3A_623 = arith.maxsi %max3A_620, %get3A_622 : vector<16xi32>
      %get3A_624 = arith.constant 2368 : index
      %get3A_625 = tpu.vector_load %arg5[%get3A_624] {strides = array<i32>} : memref<5120xi32, #tpu.memory_space<vmem>>, vector<16xi32>,
      %max3A_626 = arith.maxsi %max3A_623, %get3A_625 : vector<16xi32>
      %get3A_627 = arith.constant 2880 : index
      %get3A_628 = tpu.vector_load %arg5[%get3A_627] {strides = array<i32>} : memref<5120xi32, #tpu.memory_space<vmem>>, vector<16xi32>,
      %max3A_629 = arith.maxsi %max3A_626, %get3A_628 : vector<16xi32>
      %get3A_630 = arith.constant 3392 : index
      %get3A_631 = tpu.vector_load %arg5[%get3A_630] {strides = array<i32>} : memref<5120xi32, #tpu.memory_space<vmem>>, vector<16xi32>,
      %max3A_632 = arith.maxsi %max3A_629, %get3A_631 : vector<16xi32>
      %get3A_633 = arith.constant 3904 : index
      %get3A_634 = tpu.vector_load %arg5[%get3A_633] {strides = array<i32>} : memref<5120xi32, #tpu.memory_space<vmem>>, vector<16xi32>,
      %max3A_635 = arith.maxsi %max3A_632, %get3A_634 : vector<16xi32>
      %get3A_636 = arith.constant 4416 : index
      %get3A_637 = tpu.vector_load %arg5[%get3A_636] {strides = array<i32>} : memref<5120xi32, #tpu.memory_space<vmem>>, vector<16xi32>,
      %max3A_638 = arith.maxsi %max3A_635, %get3A_637 : vector<16xi32>
      %get3A_639 = arith.constant 4928 : index
      %get3A_640 = tpu.vector_load %arg5[%get3A_639] {strides = array<i32>} : memref<5120xi32, #tpu.memory_space<vmem>>, vector<16xi32>,
      %max3A_641 = arith.maxsi %max3A_638, %get3A_640 : vector<16xi32>
      %add3A_642 = arith.addi %add3A_612, %max3A_641 : vector<16xi32>
      %get3A_643 = arith.constant 336 : index
      %get3A_644 = tpu.vector_load %arg5[%get3A_643] {strides = array<i32>} : memref<5120xi32, #tpu.memory_space<vmem>>, vector<16xi32>,
      %get3A_645 = arith.constant 848 : index
      %get3A_646 = tpu.vector_load %arg5[%get3A_645] {strides = array<i32>} : memref<5120xi32, #tpu.memory_space<vmem>>, vector<16xi32>,
      %max3A_647 = arith.maxsi %get3A_644, %get3A_646 : vector<16xi32>
      %get3A_648 = arith.constant 1360 : index
      %get3A_649 = tpu.vector_load %arg5[%get3A_648] {strides = array<i32>} : memref<5120xi32, #tpu.memory_space<vmem>>, vector<16xi32>,
      %max3A_650 = arith.maxsi %max3A_647, %get3A_649 : vector<16xi32>
      %get3A_651 = arith.constant 1872 : index
      %get3A_652 = tpu.vector_load %arg5[%get3A_651] {strides = array<i32>} : memref<5120xi32, #tpu.memory_space<vmem>>, vector<16xi32>,
      %max3A_653 = arith.maxsi %max3A_650, %get3A_652 : vector<16xi32>
      %get3A_654 = arith.constant 2384 : index
      %get3A_655 = tpu.vector_load %arg5[%get3A_654] {strides = array<i32>} : memref<5120xi32, #tpu.memory_space<vmem>>, vector<16xi32>,
      %max3A_656 = arith.maxsi %max3A_653, %get3A_655 : vector<16xi32>
      %get3A_657 = arith.constant 2896 : index
      %get3A_658 = tpu.vector_load %arg5[%get3A_657] {strides = array<i32>} : memref<5120xi32, #tpu.memory_space<vmem>>, vector<16xi32>,
      %max3A_659 = arith.maxsi %max3A_656, %get3A_658 : vector<16xi32>
      %get3A_660 = arith.constant 3408 : index
      %get3A_661 = tpu.vector_load %arg5[%get3A_660] {strides = array<i32>} : memref<5120xi32, #tpu.memory_space<vmem>>, vector<16xi32>,
      %max3A_662 = arith.maxsi %max3A_659, %get3A_661 : vector<16xi32>
      %get3A_663 = arith.constant 3920 : index
      %get3A_664 = tpu.vector_load %arg5[%get3A_663] {strides = array<i32>} : memref<5120xi32, #tpu.memory_space<vmem>>, vector<16xi32>,
      %max3A_665 = arith.maxsi %max3A_662, %get3A_664 : vector<16xi32>
      %get3A_666 = arith.constant 4432 : index
      %get3A_667 = tpu.vector_load %arg5[%get3A_666] {strides = array<i32>} : memref<5120xi32, #tpu.memory_space<vmem>>, vector<16xi32>,
      %max3A_668 = arith.maxsi %max3A_665, %get3A_667 : vector<16xi32>
      %get3A_669 = arith.constant 4944 : index
      %get3A_670 = tpu.vector_load %arg5[%get3A_669] {strides = array<i32>} : memref<5120xi32, #tpu.memory_space<vmem>>, vector<16xi32>,
      %max3A_671 = arith.maxsi %max3A_668, %get3A_670 : vector<16xi32>
      %add3A_672 = arith.addi %add3A_642, %max3A_671 : vector<16xi32>
      %get3A_673 = arith.constant 352 : index
      %get3A_674 = tpu.vector_load %arg5[%get3A_673] {strides = array<i32>} : memref<5120xi32, #tpu.memory_space<vmem>>, vector<16xi32>,
      %get3A_675 = arith.constant 864 : index
      %get3A_676 = tpu.vector_load %arg5[%get3A_675] {strides = array<i32>} : memref<5120xi32, #tpu.memory_space<vmem>>, vector<16xi32>,
      %max3A_677 = arith.maxsi %get3A_674, %get3A_676 : vector<16xi32>
      %get3A_678 = arith.constant 1376 : index
      %get3A_679 = tpu.vector_load %arg5[%get3A_678] {strides = array<i32>} : memref<5120xi32, #tpu.memory_space<vmem>>, vector<16xi32>,
      %max3A_680 = arith.maxsi %max3A_677, %get3A_679 : vector<16xi32>
      %get3A_681 = arith.constant 1888 : index
      %get3A_682 = tpu.vector_load %arg5[%get3A_681] {strides = array<i32>} : memref<5120xi32, #tpu.memory_space<vmem>>, vector<16xi32>,
      %max3A_683 = arith.maxsi %max3A_680, %get3A_682 : vector<16xi32>
      %get3A_684 = arith.constant 2400 : index
      %get3A_685 = tpu.vector_load %arg5[%get3A_684] {strides = array<i32>} : memref<5120xi32, #tpu.memory_space<vmem>>, vector<16xi32>,
      %max3A_686 = arith.maxsi %max3A_683, %get3A_685 : vector<16xi32>
      %get3A_687 = arith.constant 2912 : index
      %get3A_688 = tpu.vector_load %arg5[%get3A_687] {strides = array<i32>} : memref<5120xi32, #tpu.memory_space<vmem>>, vector<16xi32>,
      %max3A_689 = arith.maxsi %max3A_686, %get3A_688 : vector<16xi32>
      %get3A_690 = arith.constant 3424 : index
      %get3A_691 = tpu.vector_load %arg5[%get3A_690] {strides = array<i32>} : memref<5120xi32, #tpu.memory_space<vmem>>, vector<16xi32>,
      %max3A_692 = arith.maxsi %max3A_689, %get3A_691 : vector<16xi32>
      %get3A_693 = arith.constant 3936 : index
      %get3A_694 = tpu.vector_load %arg5[%get3A_693] {strides = array<i32>} : memref<5120xi32, #tpu.memory_space<vmem>>, vector<16xi32>,
      %max3A_695 = arith.maxsi %max3A_692, %get3A_694 : vector<16xi32>
      %get3A_696 = arith.constant 4448 : index
      %get3A_697 = tpu.vector_load %arg5[%get3A_696] {strides = array<i32>} : memref<5120xi32, #tpu.memory_space<vmem>>, vector<16xi32>,
      %max3A_698 = arith.maxsi %max3A_695, %get3A_697 : vector<16xi32>
      %get3A_699 = arith.constant 4960 : index
      %get3A_700 = tpu.vector_load %arg5[%get3A_699] {strides = array<i32>} : memref<5120xi32, #tpu.memory_space<vmem>>, vector<16xi32>,
      %max3A_701 = arith.maxsi %max3A_698, %get3A_700 : vector<16xi32>
      %add3A_702 = arith.addi %add3A_672, %max3A_701 : vector<16xi32>
      %get3A_703 = arith.constant 368 : index
      %get3A_704 = tpu.vector_load %arg5[%get3A_703] {strides = array<i32>} : memref<5120xi32, #tpu.memory_space<vmem>>, vector<16xi32>,
      %get3A_705 = arith.constant 880 : index
      %get3A_706 = tpu.vector_load %arg5[%get3A_705] {strides = array<i32>} : memref<5120xi32, #tpu.memory_space<vmem>>, vector<16xi32>,
      %max3A_707 = arith.maxsi %get3A_704, %get3A_706 : vector<16xi32>
      %get3A_708 = arith.constant 1392 : index
      %get3A_709 = tpu.vector_load %arg5[%get3A_708] {strides = array<i32>} : memref<5120xi32, #tpu.memory_space<vmem>>, vector<16xi32>,
      %max3A_710 = arith.maxsi %max3A_707, %get3A_709 : vector<16xi32>
      %get3A_711 = arith.constant 1904 : index
      %get3A_712 = tpu.vector_load %arg5[%get3A_711] {strides = array<i32>} : memref<5120xi32, #tpu.memory_space<vmem>>, vector<16xi32>,
      %max3A_713 = arith.maxsi %max3A_710, %get3A_712 : vector<16xi32>
      %get3A_714 = arith.constant 2416 : index
      %get3A_715 = tpu.vector_load %arg5[%get3A_714] {strides = array<i32>} : memref<5120xi32, #tpu.memory_space<vmem>>, vector<16xi32>,
      %max3A_716 = arith.maxsi %max3A_713, %get3A_715 : vector<16xi32>
      %get3A_717 = arith.constant 2928 : index
      %get3A_718 = tpu.vector_load %arg5[%get3A_717] {strides = array<i32>} : memref<5120xi32, #tpu.memory_space<vmem>>, vector<16xi32>,
      %max3A_719 = arith.maxsi %max3A_716, %get3A_718 : vector<16xi32>
      %get3A_720 = arith.constant 3440 : index
      %get3A_721 = tpu.vector_load %arg5[%get3A_720] {strides = array<i32>} : memref<5120xi32, #tpu.memory_space<vmem>>, vector<16xi32>,
      %max3A_722 = arith.maxsi %max3A_719, %get3A_721 : vector<16xi32>
      %get3A_723 = arith.constant 3952 : index
      %get3A_724 = tpu.vector_load %arg5[%get3A_723] {strides = array<i32>} : memref<5120xi32, #tpu.memory_space<vmem>>, vector<16xi32>,
      %max3A_725 = arith.maxsi %max3A_722, %get3A_724 : vector<16xi32>
      %get3A_726 = arith.constant 4464 : index
      %get3A_727 = tpu.vector_load %arg5[%get3A_726] {strides = array<i32>} : memref<5120xi32, #tpu.memory_space<vmem>>, vector<16xi32>,
      %max3A_728 = arith.maxsi %max3A_725, %get3A_727 : vector<16xi32>
      %get3A_729 = arith.constant 4976 : index
      %get3A_730 = tpu.vector_load %arg5[%get3A_729] {strides = array<i32>} : memref<5120xi32, #tpu.memory_space<vmem>>, vector<16xi32>,
      %max3A_731 = arith.maxsi %max3A_728, %get3A_730 : vector<16xi32>
      %add3A_732 = arith.addi %add3A_702, %max3A_731 : vector<16xi32>
      %get3A_733 = arith.constant 384 : index
      %get3A_734 = tpu.vector_load %arg5[%get3A_733] {strides = array<i32>} : memref<5120xi32, #tpu.memory_space<vmem>>, vector<16xi32>,
      %get3A_735 = arith.constant 896 : index
      %get3A_736 = tpu.vector_load %arg5[%get3A_735] {strides = array<i32>} : memref<5120xi32, #tpu.memory_space<vmem>>, vector<16xi32>,
      %max3A_737 = arith.maxsi %get3A_734, %get3A_736 : vector<16xi32>
      %get3A_738 = arith.constant 1408 : index
      %get3A_739 = tpu.vector_load %arg5[%get3A_738] {strides = array<i32>} : memref<5120xi32, #tpu.memory_space<vmem>>, vector<16xi32>,
      %max3A_740 = arith.maxsi %max3A_737, %get3A_739 : vector<16xi32>
      %get3A_741 = arith.constant 1920 : index
      %get3A_742 = tpu.vector_load %arg5[%get3A_741] {strides = array<i32>} : memref<5120xi32, #tpu.memory_space<vmem>>, vector<16xi32>,
      %max3A_743 = arith.maxsi %max3A_740, %get3A_742 : vector<16xi32>
      %get3A_744 = arith.constant 2432 : index
      %get3A_745 = tpu.vector_load %arg5[%get3A_744] {strides = array<i32>} : memref<5120xi32, #tpu.memory_space<vmem>>, vector<16xi32>,
      %max3A_746 = arith.maxsi %max3A_743, %get3A_745 : vector<16xi32>
      %get3A_747 = arith.constant 2944 : index
      %get3A_748 = tpu.vector_load %arg5[%get3A_747] {strides = array<i32>} : memref<5120xi32, #tpu.memory_space<vmem>>, vector<16xi32>,
      %max3A_749 = arith.maxsi %max3A_746, %get3A_748 : vector<16xi32>
      %get3A_750 = arith.constant 3456 : index
      %get3A_751 = tpu.vector_load %arg5[%get3A_750] {strides = array<i32>} : memref<5120xi32, #tpu.memory_space<vmem>>, vector<16xi32>,
      %max3A_752 = arith.maxsi %max3A_749, %get3A_751 : vector<16xi32>
      %get3A_753 = arith.constant 3968 : index
      %get3A_754 = tpu.vector_load %arg5[%get3A_753] {strides = array<i32>} : memref<5120xi32, #tpu.memory_space<vmem>>, vector<16xi32>,
      %max3A_755 = arith.maxsi %max3A_752, %get3A_754 : vector<16xi32>
      %get3A_756 = arith.constant 4480 : index
      %get3A_757 = tpu.vector_load %arg5[%get3A_756] {strides = array<i32>} : memref<5120xi32, #tpu.memory_space<vmem>>, vector<16xi32>,
      %max3A_758 = arith.maxsi %max3A_755, %get3A_757 : vector<16xi32>
      %get3A_759 = arith.constant 4992 : index
      %get3A_760 = tpu.vector_load %arg5[%get3A_759] {strides = array<i32>} : memref<5120xi32, #tpu.memory_space<vmem>>, vector<16xi32>,
      %max3A_761 = arith.maxsi %max3A_758, %get3A_760 : vector<16xi32>
      %add3A_762 = arith.addi %add3A_732, %max3A_761 : vector<16xi32>
      %get3A_763 = arith.constant 400 : index
      %get3A_764 = tpu.vector_load %arg5[%get3A_763] {strides = array<i32>} : memref<5120xi32, #tpu.memory_space<vmem>>, vector<16xi32>,
      %get3A_765 = arith.constant 912 : index
      %get3A_766 = tpu.vector_load %arg5[%get3A_765] {strides = array<i32>} : memref<5120xi32, #tpu.memory_space<vmem>>, vector<16xi32>,
      %max3A_767 = arith.maxsi %get3A_764, %get3A_766 : vector<16xi32>
      %get3A_768 = arith.constant 1424 : index
      %get3A_769 = tpu.vector_load %arg5[%get3A_768] {strides = array<i32>} : memref<5120xi32, #tpu.memory_space<vmem>>, vector<16xi32>,
      %max3A_770 = arith.maxsi %max3A_767, %get3A_769 : vector<16xi32>
      %get3A_771 = arith.constant 1936 : index
      %get3A_772 = tpu.vector_load %arg5[%get3A_771] {strides = array<i32>} : memref<5120xi32, #tpu.memory_space<vmem>>, vector<16xi32>,
      %max3A_773 = arith.maxsi %max3A_770, %get3A_772 : vector<16xi32>
      %get3A_774 = arith.constant 2448 : index
      %get3A_775 = tpu.vector_load %arg5[%get3A_774] {strides = array<i32>} : memref<5120xi32, #tpu.memory_space<vmem>>, vector<16xi32>,
      %max3A_776 = arith.maxsi %max3A_773, %get3A_775 : vector<16xi32>
      %get3A_777 = arith.constant 2960 : index
      %get3A_778 = tpu.vector_load %arg5[%get3A_777] {strides = array<i32>} : memref<5120xi32, #tpu.memory_space<vmem>>, vector<16xi32>,
      %max3A_779 = arith.maxsi %max3A_776, %get3A_778 : vector<16xi32>
      %get3A_780 = arith.constant 3472 : index
      %get3A_781 = tpu.vector_load %arg5[%get3A_780] {strides = array<i32>} : memref<5120xi32, #tpu.memory_space<vmem>>, vector<16xi32>,
      %max3A_782 = arith.maxsi %max3A_779, %get3A_781 : vector<16xi32>
      %get3A_783 = arith.constant 3984 : index
      %get3A_784 = tpu.vector_load %arg5[%get3A_783] {strides = array<i32>} : memref<5120xi32, #tpu.memory_space<vmem>>, vector<16xi32>,
      %max3A_785 = arith.maxsi %max3A_782, %get3A_784 : vector<16xi32>
      %get3A_786 = arith.constant 4496 : index
      %get3A_787 = tpu.vector_load %arg5[%get3A_786] {strides = array<i32>} : memref<5120xi32, #tpu.memory_space<vmem>>, vector<16xi32>,
      %max3A_788 = arith.maxsi %max3A_785, %get3A_787 : vector<16xi32>
      %get3A_789 = arith.constant 5008 : index
      %get3A_790 = tpu.vector_load %arg5[%get3A_789] {strides = array<i32>} : memref<5120xi32, #tpu.memory_space<vmem>>, vector<16xi32>,
      %max3A_791 = arith.maxsi %max3A_788, %get3A_790 : vector<16xi32>
      %add3A_792 = arith.addi %add3A_762, %max3A_791 : vector<16xi32>
      %get3A_793 = arith.constant 416 : index
      %get3A_794 = tpu.vector_load %arg5[%get3A_793] {strides = array<i32>} : memref<5120xi32, #tpu.memory_space<vmem>>, vector<16xi32>,
      %get3A_795 = arith.constant 928 : index
      %get3A_796 = tpu.vector_load %arg5[%get3A_795] {strides = array<i32>} : memref<5120xi32, #tpu.memory_space<vmem>>, vector<16xi32>,
      %max3A_797 = arith.maxsi %get3A_794, %get3A_796 : vector<16xi32>
      %get3A_798 = arith.constant 1440 : index
      %get3A_799 = tpu.vector_load %arg5[%get3A_798] {strides = array<i32>} : memref<5120xi32, #tpu.memory_space<vmem>>, vector<16xi32>,
      %max3A_800 = arith.maxsi %max3A_797, %get3A_799 : vector<16xi32>
      %get3A_801 = arith.constant 1952 : index
      %get3A_802 = tpu.vector_load %arg5[%get3A_801] {strides = array<i32>} : memref<5120xi32, #tpu.memory_space<vmem>>, vector<16xi32>,
      %max3A_803 = arith.maxsi %max3A_800, %get3A_802 : vector<16xi32>
      %get3A_804 = arith.constant 2464 : index
      %get3A_805 = tpu.vector_load %arg5[%get3A_804] {strides = array<i32>} : memref<5120xi32, #tpu.memory_space<vmem>>, vector<16xi32>,
      %max3A_806 = arith.maxsi %max3A_803, %get3A_805 : vector<16xi32>
      %get3A_807 = arith.constant 2976 : index
      %get3A_808 = tpu.vector_load %arg5[%get3A_807] {strides = array<i32>} : memref<5120xi32, #tpu.memory_space<vmem>>, vector<16xi32>,
      %max3A_809 = arith.maxsi %max3A_806, %get3A_808 : vector<16xi32>
      %get3A_810 = arith.constant 3488 : index
      %get3A_811 = tpu.vector_load %arg5[%get3A_810] {strides = array<i32>} : memref<5120xi32, #tpu.memory_space<vmem>>, vector<16xi32>,
      %max3A_812 = arith.maxsi %max3A_809, %get3A_811 : vector<16xi32>
      %get3A_813 = arith.constant 4000 : index
      %get3A_814 = tpu.vector_load %arg5[%get3A_813] {strides = array<i32>} : memref<5120xi32, #tpu.memory_space<vmem>>, vector<16xi32>,
      %max3A_815 = arith.maxsi %max3A_812, %get3A_814 : vector<16xi32>
      %get3A_816 = arith.constant 4512 : index
      %get3A_817 = tpu.vector_load %arg5[%get3A_816] {strides = array<i32>} : memref<5120xi32, #tpu.memory_space<vmem>>, vector<16xi32>,
      %max3A_818 = arith.maxsi %max3A_815, %get3A_817 : vector<16xi32>
      %get3A_819 = arith.constant 5024 : index
      %get3A_820 = tpu.vector_load %arg5[%get3A_819] {strides = array<i32>} : memref<5120xi32, #tpu.memory_space<vmem>>, vector<16xi32>,
      %max3A_821 = arith.maxsi %max3A_818, %get3A_820 : vector<16xi32>
      %add3A_822 = arith.addi %add3A_792, %max3A_821 : vector<16xi32>
      %get3A_823 = arith.constant 432 : index
      %get3A_824 = tpu.vector_load %arg5[%get3A_823] {strides = array<i32>} : memref<5120xi32, #tpu.memory_space<vmem>>, vector<16xi32>,
      %get3A_825 = arith.constant 944 : index
      %get3A_826 = tpu.vector_load %arg5[%get3A_825] {strides = array<i32>} : memref<5120xi32, #tpu.memory_space<vmem>>, vector<16xi32>,
      %max3A_827 = arith.maxsi %get3A_824, %get3A_826 : vector<16xi32>
      %get3A_828 = arith.constant 1456 : index
      %get3A_829 = tpu.vector_load %arg5[%get3A_828] {strides = array<i32>} : memref<5120xi32, #tpu.memory_space<vmem>>, vector<16xi32>,
      %max3A_830 = arith.maxsi %max3A_827, %get3A_829 : vector<16xi32>
      %get3A_831 = arith.constant 1968 : index
      %get3A_832 = tpu.vector_load %arg5[%get3A_831] {strides = array<i32>} : memref<5120xi32, #tpu.memory_space<vmem>>, vector<16xi32>,
      %max3A_833 = arith.maxsi %max3A_830, %get3A_832 : vector<16xi32>
      %get3A_834 = arith.constant 2480 : index
      %get3A_835 = tpu.vector_load %arg5[%get3A_834] {strides = array<i32>} : memref<5120xi32, #tpu.memory_space<vmem>>, vector<16xi32>,
      %max3A_836 = arith.maxsi %max3A_833, %get3A_835 : vector<16xi32>
      %get3A_837 = arith.constant 2992 : index
      %get3A_838 = tpu.vector_load %arg5[%get3A_837] {strides = array<i32>} : memref<5120xi32, #tpu.memory_space<vmem>>, vector<16xi32>,
      %max3A_839 = arith.maxsi %max3A_836, %get3A_838 : vector<16xi32>
      %get3A_840 = arith.constant 3504 : index
      %get3A_841 = tpu.vector_load %arg5[%get3A_840] {strides = array<i32>} : memref<5120xi32, #tpu.memory_space<vmem>>, vector<16xi32>,
      %max3A_842 = arith.maxsi %max3A_839, %get3A_841 : vector<16xi32>
      %get3A_843 = arith.constant 4016 : index
      %get3A_844 = tpu.vector_load %arg5[%get3A_843] {strides = array<i32>} : memref<5120xi32, #tpu.memory_space<vmem>>, vector<16xi32>,
      %max3A_845 = arith.maxsi %max3A_842, %get3A_844 : vector<16xi32>
      %get3A_846 = arith.constant 4528 : index
      %get3A_847 = tpu.vector_load %arg5[%get3A_846] {strides = array<i32>} : memref<5120xi32, #tpu.memory_space<vmem>>, vector<16xi32>,
      %max3A_848 = arith.maxsi %max3A_845, %get3A_847 : vector<16xi32>
      %get3A_849 = arith.constant 5040 : index
      %get3A_850 = tpu.vector_load %arg5[%get3A_849] {strides = array<i32>} : memref<5120xi32, #tpu.memory_space<vmem>>, vector<16xi32>,
      %max3A_851 = arith.maxsi %max3A_848, %get3A_850 : vector<16xi32>
      %add3A_852 = arith.addi %add3A_822, %max3A_851 : vector<16xi32>
      %get3A_853 = arith.constant 448 : index
      %get3A_854 = tpu.vector_load %arg5[%get3A_853] {strides = array<i32>} : memref<5120xi32, #tpu.memory_space<vmem>>, vector<16xi32>,
      %get3A_855 = arith.constant 960 : index
      %get3A_856 = tpu.vector_load %arg5[%get3A_855] {strides = array<i32>} : memref<5120xi32, #tpu.memory_space<vmem>>, vector<16xi32>,
      %max3A_857 = arith.maxsi %get3A_854, %get3A_856 : vector<16xi32>
      %get3A_858 = arith.constant 1472 : index
      %get3A_859 = tpu.vector_load %arg5[%get3A_858] {strides = array<i32>} : memref<5120xi32, #tpu.memory_space<vmem>>, vector<16xi32>,
      %max3A_860 = arith.maxsi %max3A_857, %get3A_859 : vector<16xi32>
      %get3A_861 = arith.constant 1984 : index
      %get3A_862 = tpu.vector_load %arg5[%get3A_861] {strides = array<i32>} : memref<5120xi32, #tpu.memory_space<vmem>>, vector<16xi32>,
      %max3A_863 = arith.maxsi %max3A_860, %get3A_862 : vector<16xi32>
      %get3A_864 = arith.constant 2496 : index
      %get3A_865 = tpu.vector_load %arg5[%get3A_864] {strides = array<i32>} : memref<5120xi32, #tpu.memory_space<vmem>>, vector<16xi32>,
      %max3A_866 = arith.maxsi %max3A_863, %get3A_865 : vector<16xi32>
      %get3A_867 = arith.constant 3008 : index
      %get3A_868 = tpu.vector_load %arg5[%get3A_867] {strides = array<i32>} : memref<5120xi32, #tpu.memory_space<vmem>>, vector<16xi32>,
      %max3A_869 = arith.maxsi %max3A_866, %get3A_868 : vector<16xi32>
      %get3A_870 = arith.constant 3520 : index
      %get3A_871 = tpu.vector_load %arg5[%get3A_870] {strides = array<i32>} : memref<5120xi32, #tpu.memory_space<vmem>>, vector<16xi32>,
      %max3A_872 = arith.maxsi %max3A_869, %get3A_871 : vector<16xi32>
      %get3A_873 = arith.constant 4032 : index
      %get3A_874 = tpu.vector_load %arg5[%get3A_873] {strides = array<i32>} : memref<5120xi32, #tpu.memory_space<vmem>>, vector<16xi32>,
      %max3A_875 = arith.maxsi %max3A_872, %get3A_874 : vector<16xi32>
      %get3A_876 = arith.constant 4544 : index
      %get3A_877 = tpu.vector_load %arg5[%get3A_876] {strides = array<i32>} : memref<5120xi32, #tpu.memory_space<vmem>>, vector<16xi32>,
      %max3A_878 = arith.maxsi %max3A_875, %get3A_877 : vector<16xi32>
      %get3A_879 = arith.constant 5056 : index
      %get3A_880 = tpu.vector_load %arg5[%get3A_879] {strides = array<i32>} : memref<5120xi32, #tpu.memory_space<vmem>>, vector<16xi32>,
      %max3A_881 = arith.maxsi %max3A_878, %get3A_880 : vector<16xi32>
      %add3A_882 = arith.addi %add3A_852, %max3A_881 : vector<16xi32>
      %get3A_883 = arith.constant 464 : index
      %get3A_884 = tpu.vector_load %arg5[%get3A_883] {strides = array<i32>} : memref<5120xi32, #tpu.memory_space<vmem>>, vector<16xi32>,
      %get3A_885 = arith.constant 976 : index
      %get3A_886 = tpu.vector_load %arg5[%get3A_885] {strides = array<i32>} : memref<5120xi32, #tpu.memory_space<vmem>>, vector<16xi32>,
      %max3A_887 = arith.maxsi %get3A_884, %get3A_886 : vector<16xi32>
      %get3A_888 = arith.constant 1488 : index
      %get3A_889 = tpu.vector_load %arg5[%get3A_888] {strides = array<i32>} : memref<5120xi32, #tpu.memory_space<vmem>>, vector<16xi32>,
      %max3A_890 = arith.maxsi %max3A_887, %get3A_889 : vector<16xi32>
      %get3A_891 = arith.constant 2000 : index
      %get3A_892 = tpu.vector_load %arg5[%get3A_891] {strides = array<i32>} : memref<5120xi32, #tpu.memory_space<vmem>>, vector<16xi32>,
      %max3A_893 = arith.maxsi %max3A_890, %get3A_892 : vector<16xi32>
      %get3A_894 = arith.constant 2512 : index
      %get3A_895 = tpu.vector_load %arg5[%get3A_894] {strides = array<i32>} : memref<5120xi32, #tpu.memory_space<vmem>>, vector<16xi32>,
      %max3A_896 = arith.maxsi %max3A_893, %get3A_895 : vector<16xi32>
      %get3A_897 = arith.constant 3024 : index
      %get3A_898 = tpu.vector_load %arg5[%get3A_897] {strides = array<i32>} : memref<5120xi32, #tpu.memory_space<vmem>>, vector<16xi32>,
      %max3A_899 = arith.maxsi %max3A_896, %get3A_898 : vector<16xi32>
      %get3A_900 = arith.constant 3536 : index
      %get3A_901 = tpu.vector_load %arg5[%get3A_900] {strides = array<i32>} : memref<5120xi32, #tpu.memory_space<vmem>>, vector<16xi32>,
      %max3A_902 = arith.maxsi %max3A_899, %get3A_901 : vector<16xi32>
      %get3A_903 = arith.constant 4048 : index
      %get3A_904 = tpu.vector_load %arg5[%get3A_903] {strides = array<i32>} : memref<5120xi32, #tpu.memory_space<vmem>>, vector<16xi32>,
      %max3A_905 = arith.maxsi %max3A_902, %get3A_904 : vector<16xi32>
      %get3A_906 = arith.constant 4560 : index
      %get3A_907 = tpu.vector_load %arg5[%get3A_906] {strides = array<i32>} : memref<5120xi32, #tpu.memory_space<vmem>>, vector<16xi32>,
      %max3A_908 = arith.maxsi %max3A_905, %get3A_907 : vector<16xi32>
      %get3A_909 = arith.constant 5072 : index
      %get3A_910 = tpu.vector_load %arg5[%get3A_909] {strides = array<i32>} : memref<5120xi32, #tpu.memory_space<vmem>>, vector<16xi32>,
      %max3A_911 = arith.maxsi %max3A_908, %get3A_910 : vector<16xi32>
      %add3A_912 = arith.addi %add3A_882, %max3A_911 : vector<16xi32>
      %get3A_913 = arith.constant 480 : index
      %get3A_914 = tpu.vector_load %arg5[%get3A_913] {strides = array<i32>} : memref<5120xi32, #tpu.memory_space<vmem>>, vector<16xi32>,
      %get3A_915 = arith.constant 992 : index
      %get3A_916 = tpu.vector_load %arg5[%get3A_915] {strides = array<i32>} : memref<5120xi32, #tpu.memory_space<vmem>>, vector<16xi32>,
      %max3A_917 = arith.maxsi %get3A_914, %get3A_916 : vector<16xi32>
      %get3A_918 = arith.constant 1504 : index
      %get3A_919 = tpu.vector_load %arg5[%get3A_918] {strides = array<i32>} : memref<5120xi32, #tpu.memory_space<vmem>>, vector<16xi32>,
      %max3A_920 = arith.maxsi %max3A_917, %get3A_919 : vector<16xi32>
      %get3A_921 = arith.constant 2016 : index
      %get3A_922 = tpu.vector_load %arg5[%get3A_921] {strides = array<i32>} : memref<5120xi32, #tpu.memory_space<vmem>>, vector<16xi32>,
      %max3A_923 = arith.maxsi %max3A_920, %get3A_922 : vector<16xi32>
      %get3A_924 = arith.constant 2528 : index
      %get3A_925 = tpu.vector_load %arg5[%get3A_924] {strides = array<i32>} : memref<5120xi32, #tpu.memory_space<vmem>>, vector<16xi32>,
      %max3A_926 = arith.maxsi %max3A_923, %get3A_925 : vector<16xi32>
      %get3A_927 = arith.constant 3040 : index
      %get3A_928 = tpu.vector_load %arg5[%get3A_927] {strides = array<i32>} : memref<5120xi32, #tpu.memory_space<vmem>>, vector<16xi32>,
      %max3A_929 = arith.maxsi %max3A_926, %get3A_928 : vector<16xi32>
      %get3A_930 = arith.constant 3552 : index
      %get3A_931 = tpu.vector_load %arg5[%get3A_930] {strides = array<i32>} : memref<5120xi32, #tpu.memory_space<vmem>>, vector<16xi32>,
      %max3A_932 = arith.maxsi %max3A_929, %get3A_931 : vector<16xi32>
      %get3A_933 = arith.constant 4064 : index
      %get3A_934 = tpu.vector_load %arg5[%get3A_933] {strides = array<i32>} : memref<5120xi32, #tpu.memory_space<vmem>>, vector<16xi32>,
      %max3A_935 = arith.maxsi %max3A_932, %get3A_934 : vector<16xi32>
      %get3A_936 = arith.constant 4576 : index
      %get3A_937 = tpu.vector_load %arg5[%get3A_936] {strides = array<i32>} : memref<5120xi32, #tpu.memory_space<vmem>>, vector<16xi32>,
      %max3A_938 = arith.maxsi %max3A_935, %get3A_937 : vector<16xi32>
      %get3A_939 = arith.constant 5088 : index
      %get3A_940 = tpu.vector_load %arg5[%get3A_939] {strides = array<i32>} : memref<5120xi32, #tpu.memory_space<vmem>>, vector<16xi32>,
      %max3A_941 = arith.maxsi %max3A_938, %get3A_940 : vector<16xi32>
      %add3A_942 = arith.addi %add3A_912, %max3A_941 : vector<16xi32>
      %get3A_943 = arith.constant 496 : index
      %get3A_944 = tpu.vector_load %arg5[%get3A_943] {strides = array<i32>} : memref<5120xi32, #tpu.memory_space<vmem>>, vector<16xi32>,
      %get3A_945 = arith.constant 1008 : index
      %get3A_946 = tpu.vector_load %arg5[%get3A_945] {strides = array<i32>} : memref<5120xi32, #tpu.memory_space<vmem>>, vector<16xi32>,
      %max3A_947 = arith.maxsi %get3A_944, %get3A_946 : vector<16xi32>
      %get3A_948 = arith.constant 1520 : index
      %get3A_949 = tpu.vector_load %arg5[%get3A_948] {strides = array<i32>} : memref<5120xi32, #tpu.memory_space<vmem>>, vector<16xi32>,
      %max3A_950 = arith.maxsi %max3A_947, %get3A_949 : vector<16xi32>
      %get3A_951 = arith.constant 2032 : index
      %get3A_952 = tpu.vector_load %arg5[%get3A_951] {strides = array<i32>} : memref<5120xi32, #tpu.memory_space<vmem>>, vector<16xi32>,
      %max3A_953 = arith.maxsi %max3A_950, %get3A_952 : vector<16xi32>
      %get3A_954 = arith.constant 2544 : index
      %get3A_955 = tpu.vector_load %arg5[%get3A_954] {strides = array<i32>} : memref<5120xi32, #tpu.memory_space<vmem>>, vector<16xi32>,
      %max3A_956 = arith.maxsi %max3A_953, %get3A_955 : vector<16xi32>
      %get3A_957 = arith.constant 3056 : index
      %get3A_958 = tpu.vector_load %arg5[%get3A_957] {strides = array<i32>} : memref<5120xi32, #tpu.memory_space<vmem>>, vector<16xi32>,
      %max3A_959 = arith.maxsi %max3A_956, %get3A_958 : vector<16xi32>
      %get3A_960 = arith.constant 3568 : index
      %get3A_961 = tpu.vector_load %arg5[%get3A_960] {strides = array<i32>} : memref<5120xi32, #tpu.memory_space<vmem>>, vector<16xi32>,
      %max3A_962 = arith.maxsi %max3A_959, %get3A_961 : vector<16xi32>
      %get3A_963 = arith.constant 4080 : index
      %get3A_964 = tpu.vector_load %arg5[%get3A_963] {strides = array<i32>} : memref<5120xi32, #tpu.memory_space<vmem>>, vector<16xi32>,
      %max3A_965 = arith.maxsi %max3A_962, %get3A_964 : vector<16xi32>
      %get3A_966 = arith.constant 4592 : index
      %get3A_967 = tpu.vector_load %arg5[%get3A_966] {strides = array<i32>} : memref<5120xi32, #tpu.memory_space<vmem>>, vector<16xi32>,
      %max3A_968 = arith.maxsi %max3A_965, %get3A_967 : vector<16xi32>
      %get3A_969 = arith.constant 5104 : index
      %get3A_970 = tpu.vector_load %arg5[%get3A_969] {strides = array<i32>} : memref<5120xi32, #tpu.memory_space<vmem>>, vector<16xi32>,
      %max3A_971 = arith.maxsi %max3A_968, %get3A_970 : vector<16xi32>
      %add3A_972 = arith.addi %add3A_942, %max3A_971 : vector<16xi32>
      %reduce_sum3A = arith.constant true
      %reduce_sum3A_973 = vector.broadcast %reduce_sum3A : i1 to vector<16xi1>
      %reduce_sum3A_974 = tpu.scan <sum>, %add3A_972 masked %reduce_sum3A_973 : vector<16xi32>, vector<16xi1> -> vector<16xi32>
      %reduce_sum3A_975 = vector.extract %reduce_sum3A_974[15] : i32 from vector<16xi32>
      %broadcast_in_dim3A_976 = arith.constant 0.000000e+00 : f32
      %broadcast_in_dim3A_977 = vector.broadcast %broadcast_in_dim3A_976 : f32 to vector<16xf32>
      %convert_element_type3A_978 = arith.sitofp %reduce_sum3A_975 : i32 to f32
      %mul3A = arith.constant 9.99999974E-5 : f32
      %mul3A_979 = arith.mulf %convert_element_type3A_978, %mul3A : f32
      %add3A_980 = vector.broadcast %mul3A_979 : f32 to vector<16xf32>
      %add3A_981 = arith.addf %broadcast_in_dim3A_977, %add3A_980 : vector<16xf32>
      %swap3A = arith.constant 0 : index
      %swap3A_982 = tpu.vector_load %arg6[%swap3A] {strides = array<i32>} : memref<16xf32, #tpu.memory_space<vmem>>, vector<16xf32>,
      tpu.vector_store %arg6[%swap3A], %add3A_981 {strides = array<i32>} : memref<16xf32, #tpu.memory_space<vmem>>, vector<16xf32>,
      "tpu.region"() ({
        %run_scoped3A = tpu.sem_alloc : memref<!tpu.dma_semaphore, #tpu.memory_space<semaphore_mem>>
        tpu.enqueue_dma source(%arg6 : memref<16xf32, #tpu.memory_space<vmem>>) target(%arg3 : memref<16xf32, #tpu.memory_space<hbm>>) target_semaphore(%run_scoped3A : memref<!tpu.dma_semaphore, #tpu.memory_space<semaphore_mem>>)
        tpu.wait_dma2 semaphore(%run_scoped3A : memref<!tpu.dma_semaphore, #tpu.memory_space<semaphore_mem>>) src(%arg6 : memref<16xf32, #tpu.memory_space<vmem>>) dst(%arg3 : memref<16xf32, #tpu.memory_space<hbm>>)
        tpu.yield
      }) : () -> ()
    } else {
    }
    return
  }
}

module attributes {stable_mosaic.version = 14 : i64} {
  func.func @_tc_body(%arg0: i32, %arg1: memref<1000x32xf32, #tpu.memory_space<vmem>>, %arg2: memref<1x1x1000xi32, #tpu.memory_space<vmem>>, %arg3: memref<512x32xf32, #tpu.memory_space<vmem>>, %arg4: memref<1x1xf32, #tpu.memory_space<vmem>>, %arg5: memref<1x1x1000xi32, #tpu.memory_space<vmem>>, %arg6: memref<1x1xf32, #tpu.memory_space<smem>>) attributes {dimension_semantics = [#tpu.dimension_semantics<arbitrary>], iteration_bounds = array<i64: 10>, scalar_prefetch = 0 : i64, scratch_operands = 1 : i64, tpu.core_type = #tpu.core_type<tc>, window_params = [{transform_indices = @transform_0, window_bounds = array<i64: 1000, 32>}, {transform_indices = @transform_1, window_bounds = array<i64: 1, 1, 1000>}, {pipeline_mode = #tpu.pipeline_mode<synchronous>, transform_indices = @transform_2, window_bounds = array<i64: 512, 32>}, {pipeline_mode = #tpu.pipeline_mode<synchronous>, transform_indices = @transform_3, window_bounds = array<i64: 1, 1>}, {transform_indices = @transform_4, window_bounds = array<i64: 1, 1, 1000>}]} {
    %eq3A = arith.constant 0 : i32
    %eq3A_0 = arith.cmpi eq, %arg0, %eq3A : i32
    %convert_element_type3A = arith.extui %eq3A_0 : i1 to i32
    %cond3A = arith.constant 0 : i32
    %cond3A_1 = arith.cmpi ne, %convert_element_type3A, %cond3A : i32
    scf.if %cond3A_1 {
      %swap3A_56 = arith.constant 0.000000e+00 : f32
      %swap3A_57 = arith.constant 0 : index
      %swap3A_58 = arith.constant 0 : index
      %swap3A_59 = memref.load %arg6[%swap3A_57, %swap3A_58] : memref<1x1xf32, #tpu.memory_space<smem>>
      memref.store %swap3A_56, %arg6[%swap3A_57, %swap3A_58] : memref<1x1xf32, #tpu.memory_space<smem>>
    } else {
    }
    %get3A = arith.constant 0 : index
    %get3A_2 = arith.constant 0 : index
    %get3A_3 = vector.load %arg1[%get3A, %get3A_2] : memref<1000x32xf32, #tpu.memory_space<vmem>>, vector<1000x32xf32>
    %get3A_4 = arith.constant 0 : index
    %get3A_5 = arith.constant 0 : index
    %get3A_6 = vector.load %arg3[%get3A_4, %get3A_5] : memref<512x32xf32, #tpu.memory_space<vmem>>, vector<512x32xf32>
    %mul3A = arith.mulf %get3A_6, %get3A_6 : vector<512x32xf32>
    %reduce_sum3A = arith.constant dense<0.000000e+00> : vector<512xf32>
    %reduce_sum3A_7 = vector.multi_reduction <add>, %mul3A, %reduce_sum3A [1] : vector<512x32xf32> to vector<512xf32>
    %dot_general3A = arith.constant dense<0.000000e+00> : vector<512x1000xf32>
    %dot_general3A_8 = tpu.matmul %get3A_6, %get3A_3, %dot_general3A {dimension_numbers = #tpu.dot_dimension_numbers<[1], [1], [0], [0], [0, 0, 1, 0], [], []>, transpose_lhs_hint = false} : vector<512x32xf32>, vector<1000x32xf32>, vector<512x1000xf32> -> vector<512x1000xf32>
    %broadcast_in_dim3A = vector.shape_cast %reduce_sum3A_7 : vector<512xf32> to vector<512x1xf32>
    %mul3A_9 = arith.constant 2.000000e+00 : f32
    %mul3A_10 = vector.broadcast %mul3A_9 : f32 to vector<512x1000xf32>
    %mul3A_11 = arith.mulf %mul3A_10, %dot_general3A_8 : vector<512x1000xf32>
    %sub3A = vector.broadcast %broadcast_in_dim3A : vector<512x1xf32> to vector<512x1000xf32>
    %sub3A_12 = arith.subf %sub3A, %mul3A_11 : vector<512x1000xf32>
    %reduce_min3A = arith.constant dense<0x7F800000> : vector<1000xf32>
    %reduce_min3A_13 = vector.multi_reduction <minimumf>, %sub3A_12, %reduce_min3A [0] : vector<512x1000xf32> to vector<1000xf32>
    %broadcast_in_dim3A_14 = vector.shape_cast %reduce_min3A_13 : vector<1000xf32> to vector<1x1000xf32>
    %iota3A = tpu.iota {dimensions = array<i32: 0>} : vector<512x1000xi32>
    %eq3A_15 = vector.broadcast %broadcast_in_dim3A_14 : vector<1x1000xf32> to vector<512x1000xf32>
    %eq3A_16 = arith.cmpf oeq, %sub3A_12, %eq3A_15 : vector<512x1000xf32>
    %jit3A = arith.constant 512 : i32
    %broadcast_in_dim3A_17 = vector.broadcast %jit3A : i32 to vector<512x1000xi32>
    %select_n3A = arith.select %eq3A_16, %iota3A, %broadcast_in_dim3A_17 : vector<512x1000xi1>, vector<512x1000xi32>
    %reduce_min3A_18 = arith.constant dense<2147483647> : vector<1000xi32>
    %reduce_min3A_19 = vector.multi_reduction <minsi>, %select_n3A, %reduce_min3A_18 [0] : vector<512x1000xi32> to vector<1000xi32>
    %broadcast_in_dim3A_20 = vector.shape_cast %reduce_min3A_19 : vector<1000xi32> to vector<1x1000xi32>
    %get3A_21 = arith.constant 0 : index
    %get3A_22 = arith.constant 0 : index
    %get3A_23 = arith.constant 0 : index
    %get3A_24 = vector.load %arg2[%get3A_21, %get3A_22, %get3A_23] : memref<1x1x1000xi32, #tpu.memory_space<vmem>>, vector<1x1x1000xi32>
    %reshape3A = vector.shape_cast %get3A_24 : vector<1x1x1000xi32> to vector<1x1000xi32>
    %mul3A_25 = arith.constant 512 : i32
    %mul3A_26 = vector.broadcast %mul3A_25 : i32 to vector<1x1000xi32>
    %mul3A_27 = arith.muli %reshape3A, %mul3A_26 : vector<1x1000xi32>
    %add3A = arith.addi %mul3A_27, %broadcast_in_dim3A_20 : vector<1x1000xi32>
    %reshape3A_28 = vector.shape_cast %add3A : vector<1x1000xi32> to vector<1x1x1000xi32>
    %swap3A = arith.constant 0 : index
    %swap3A_29 = arith.constant 0 : index
    %swap3A_30 = arith.constant 0 : index
    %swap3A_31 = vector.load %arg5[%swap3A, %swap3A_29, %swap3A_30] : memref<1x1x1000xi32, #tpu.memory_space<vmem>>, vector<1x1x1000xi32>
    tpu.vector_store %arg5[%swap3A, %swap3A_29, %swap3A_30], %reshape3A_28 {strides = array<i32>} : memref<1x1x1000xi32, #tpu.memory_space<vmem>>, vector<1x1x1000xi32>,
    %get3A_32 = arith.constant 0 : index
    %get3A_33 = arith.constant 0 : index
    %get3A_34 = memref.load %arg6[%get3A_32, %get3A_33] : memref<1x1xf32, #tpu.memory_space<smem>>
    %mul3A_35 = arith.mulf %get3A_3, %get3A_3 : vector<1000x32xf32>
    %reduce_sum3A_36 = vector.shape_cast %mul3A_35 : vector<1000x32xf32> to vector<1x1000x32xf32>
    %reduce_sum3A_37 = arith.constant dense<0.000000e+00> : vector<1xf32>
    %reduce_sum3A_38 = vector.multi_reduction <add>, %reduce_sum3A_36, %reduce_sum3A_37 [1, 2] : vector<1x1000x32xf32> to vector<1xf32>
    %reduce_sum3A_39 = vector.shape_cast %reduce_sum3A_38 : vector<1xf32> to vector<1x1x1xf32>
    %reduce_sum3A_40 = vector.extract %reduce_sum3A_39[0, 0, 0] : f32 from vector<1x1x1xf32>
    %reduce_sum3A_41 = vector.shape_cast %broadcast_in_dim3A_14 : vector<1x1000xf32> to vector<1x1x1000xf32>
    %reduce_sum3A_42 = arith.constant dense<0.000000e+00> : vector<1xf32>
    %reduce_sum3A_43 = vector.multi_reduction <add>, %reduce_sum3A_41, %reduce_sum3A_42 [1, 2] : vector<1x1x1000xf32> to vector<1xf32>
    %reduce_sum3A_44 = vector.shape_cast %reduce_sum3A_43 : vector<1xf32> to vector<1x1x1xf32>
    %reduce_sum3A_45 = vector.extract %reduce_sum3A_44[0, 0, 0] : f32 from vector<1x1x1xf32>
    %add3A_46 = arith.addf %reduce_sum3A_40, %reduce_sum3A_45 : f32
    %add3A_47 = arith.addf %get3A_34, %add3A_46 : f32
    %swap3A_48 = arith.constant 0 : index
    %swap3A_49 = arith.constant 0 : index
    %swap3A_50 = memref.load %arg6[%swap3A_48, %swap3A_49] : memref<1x1xf32, #tpu.memory_space<smem>>
    memref.store %add3A_47, %arg6[%swap3A_48, %swap3A_49] : memref<1x1xf32, #tpu.memory_space<smem>>
    %eq3A_51 = arith.constant 9 : i32
    %eq3A_52 = arith.cmpi eq, %arg0, %eq3A_51 : i32
    %convert_element_type3A_53 = arith.extui %eq3A_52 : i1 to i32
    %cond3A_54 = arith.constant 0 : i32
    %cond3A_55 = arith.cmpi ne, %convert_element_type3A_53, %cond3A_54 : i32
    scf.if %cond3A_55 {
      %get3A_56 = arith.constant 0 : index
      %get3A_57 = arith.constant 0 : index
      %get3A_58 = memref.load %arg6[%get3A_56, %get3A_57] : memref<1x1xf32, #tpu.memory_space<smem>>
      %reshape3A_59 = vector.broadcast %get3A_58 : f32 to vector<1x1xf32>
      %swap3A_60 = arith.constant 0 : index
      %swap3A_61 = arith.constant 0 : index
      %swap3A_62 = vector.load %arg4[%swap3A_60, %swap3A_61] : memref<1x1xf32, #tpu.memory_space<vmem>>, vector<1x1xf32>
      tpu.vector_store %arg4[%swap3A_60, %swap3A_61], %reshape3A_59 {strides = array<i32>} : memref<1x1xf32, #tpu.memory_space<vmem>>, vector<1x1xf32>,
    } else {
    }
    return
  }
  func.func @transform_0(%arg0: i32) -> (i32, i32) {
    %c0_i32 = arith.constant 0 : i32
    %c0_i32_0 = arith.constant 0 : i32
    return %arg0, %c0_i32 : i32, i32
  }
  func.func @transform_1(%arg0: i32) -> (i32, i32, i32) {
    %c0_i32 = arith.constant 0 : i32
    %c0_i32_0 = arith.constant 0 : i32
    %c0_i32_1 = arith.constant 0 : i32
    return %arg0, %c0_i32, %c0_i32_0 : i32, i32, i32
  }
  func.func @transform_2(%arg0: i32) -> (i32, i32) {
    %c0_i32 = arith.constant 0 : i32
    %c0_i32_0 = arith.constant 0 : i32
    %c0_i32_1 = arith.constant 0 : i32
    return %c0_i32, %c0_i32_0 : i32, i32
  }
  func.func @transform_3(%arg0: i32) -> (i32, i32) {
    %c0_i32 = arith.constant 0 : i32
    %c0_i32_0 = arith.constant 0 : i32
    %c0_i32_1 = arith.constant 0 : i32
    return %c0_i32, %c0_i32_0 : i32, i32
  }
  func.func @transform_4(%arg0: i32) -> (i32, i32, i32) {
    %c0_i32 = arith.constant 0 : i32
    %c0_i32_0 = arith.constant 0 : i32
    %c0_i32_1 = arith.constant 0 : i32
    return %arg0, %c0_i32, %c0_i32_0 : i32, i32, i32
  }
}

</mosaic_0001>

<sc_bundles>
// kernel: kernel.4.cloned.1.call-start
scs
__scs_entry_jumppad:
0x0: {  	(pc) =	sbr.rel $0x88, $3  }
0x1: {  	(tag) =	ssettag $0x0;
	lr =	simm.s32 $0x1  }
0x2: {  	[smem:$0x3F9E] =	sst lr;
	_ =	strace $0xD0000000  }
0x3: {  	_ = 	snop  }
0x4: {  	_ = 	snop  }
0x5: {  	_ = 	snop  }
0x6: {  	_ = 	snop  }
0x7: {  	_ = 	snop  }
__scs_overlays_trampoline_lowered:
0x8: {  	[smem:$0x3FAD] =	sst s0  }
0x9: {  	[smem:$0x3FAE] =	sst s1  }
0xa: {  	[smem:$0x3FAF] =	sst s2  }
0xb: {  	[smem:$0x3FB0] =	sst s3  }
0xc: {  	[smem:$0x3FB1] =	sst s4  }
0xd: {  	[smem:$0x3FB2] =	sst s5  }
0xe: {  	[smem:$0x3FB3] =	sst s6  }
0xf: {  	[smem:$0x3FB4] =	sst s7  }
0x10: {  	[smem:$0x3FB5] =	sst s8  }
0x11: {  	[smem:$0x3FB6] =	sst s9;
	s0 =	simm.s32 @!p0 $0x0  }
0x12: {  	s1 =	sld [smem:$0x3F9C];
	s0 =	simm.s32 @p0 $0x1  }
0x13: {  	[smem:$0x3FB7] =	sst s0;
	s0 =	simm.s32 @!p1 $0x0  }
0x14: {  	s2 =	sld [smem:$0x3F9B];
	s0 =	simm.s32 @p1 $0x1  }
0x15: {  	[smem:$0x3FB8] =	sst s0;
	s0 =	simm.s32 @!p2 $0x0  }
0x16: {  	s3 =	sld [smem:$0x3FDB];
	s0 =	simm.s32 @p2 $0x1  }
0x17: {  	s4 =	simm.s32 $0x1BF5;
	[smem:$0x3FBA] =	sst s0  }
0x18: {  	s0 =	sld [smem:$0x3F9D];
	_ =	swait.ge [sflag:s4], $0x0  }
0x19: {  	s7 =	sld [smem:$0x3F9E]  }
0x1a: {  	s8 =	sadd.s32 $0xFFFFE003, lr  }
0x1b: {  	s9 =	sadd.s32 $0xFFFFFEF7, lr;
	s5 =	simm.s32 $0xFFFFFFFF;
	p2 =	slt.u32 s8, $0xFFFFF086  }
0x1c: {  	p1 =	slt.u32 s9, $0xF7A;
	s5 =	simm.s32 @!p2 $0x0  }
0x1d: {  	s5 =	simm.s32 @p1 $0x1;
	p0 =	seq.s32 s7, s2  }
0x1e: {  	s7 =	smul.u32 @!p0 $0xF7A, s2;
	p2 =	seq.s32 @!p0 s5, $0x0  }
0x1f: {  	s9 =	smul.u32 $0xF7A, s1;
	s8 =	simm.s32 @!p0 $0x1BF5;
	p2 =	por !p2, p0  }
0x20: {  	[sflag:s8] =	ssyncset.s32 @!p0 $0xFFFFF086;
	s6 =	sadd.s32 @!p0 s3, s7;
	s7 =	simm.s32 @!p0 $0x108  }
0x21: {  	s3 =	sadd.s32 s3, s9;
	s6 =	sadd.s32 @!p0 $0x88, s6;
	s7 =	simm.s32 @p2 $0x1082  }
0x22: {  	[simem:s7], [sflag:s8] =	dma.local @!p0 [hbm:s6], $0xF7A  }
0x23: {  	s9 =	sor.u32 $0xD0000000, s2;
	s6 =	simm.s32 $0x108;
	_ =	swait.ge @!p0 [sflag:s8], $0x0  }
0x24: {  	s3 =	sadd.s32 $0x88, s3;
	s6 =	simm.s32 @!p1 $0x1082;
	[sflag:s4] =	ssyncset.s32 $0xFFFFF086  }
0x25: {  	[simem:s6], [sflag:s4] =	dma.local [hbm:s3], $0xF7A  }
0x26: {  	[smem:$0x3F9E] =	sst s1;
	(tag) =	ssettag s2;
	_ =	strace s9  }
0x27: {  	s1 =	sld [smem:$0x3FAE]  }
0x28: {  	s2 =	sld [smem:$0x3FAF]  }
0x29: {  	s4 =	sld [smem:$0x3FB1]  }
0x2a: {  	p0 =	seq.s32 s5, $0x0;
	s5 =	sld [smem:$0x3FB2]  }
0x2b: {  	s6 =	sld [smem:$0x3FB3]  }
0x2c: {  	s7 =	sld [smem:$0x3FB4]  }
0x2d: {  	s3 =	simm.s32 $0x108;
	s8 =	sld [smem:$0x3FB5]  }
0x2e: {  	s3 =	simm.s32 @!p0 $0x1082;
	s9 =	sld [smem:$0x3FB6]  }
0x2f: {  	lr =	sadd.s32 s0, s3;
	s0 =	sld [smem:$0x3FAD]  }
0x30: {  	s3 =	sld [smem:$0x3FB0]  }
0x31: {  	[smem:$0x3FB9] =	sst s10  }
0x32: {  	s10 =	sld [smem:$0x3FB7];
	_ =	sdelay $0x3  }
0x33: {  	p0 =	seq.s32 s10, $0x1;
	s10 =	sld [smem:$0x3FB9];
	_ =	sdelay $0x3  }
0x34: {  	[smem:$0x3FB9] =	sst s10  }
0x35: {  	s10 =	sld [smem:$0x3FB8];
	_ =	sdelay $0x3  }
0x36: {  	p1 =	seq.s32 s10, $0x1;
	s10 =	sld [smem:$0x3FB9];
	_ =	sdelay $0x3  }
0x37: {  	[smem:$0x3FB9] =	sst s10  }
0x38: {  	s10 =	sld [smem:$0x3FBA]  }
0x39: {  	_ = 	snop;
	(pc) =	sbr.ind lr, $3  }
0x3a: {  	_ = 	snop  }
0x3b: {  	_ = 	snop  }
0x3c: {  	p2 =	seq.s32 s10, $0x1;
	s10 =	sld [smem:$0x3FB9]  }
0x3d: {  	_ =	shalt  }
0x3e: {  	_ =	shalt  }
0x3f: {  	_ =	shalt  }
0x40: {  	_ =	shalt  }
0x41: {  	_ =	shalt  }
0x42: {  	_ =	shalt  }
0x43: {  	_ =	shalt  }
0x44: {  	_ =	shalt  }
0x45: {  	_ =	shalt  }
0x46: {  	_ =	shalt  }
0x47: {  	_ =	shalt  }
0x48: {  	_ =	shalt  }
0x49: {  	_ =	shalt  }
0x4a: {  	_ =	shalt  }
0x4b: {  	_ =	shalt  }
0x4c: {  	_ =	shalt  }
0x4d: {  	_ =	shalt  }
0x4e: {  	_ =	shalt  }
0x4f: {  	_ =	shalt  }
0x50: {  	_ =	shalt  }
0x51: {  	_ =	shalt  }
0x52: {  	_ =	shalt  }
0x53: {  	_ =	shalt  }
0x54: {  	_ =	shalt  }
0x55: {  	_ =	shalt  }
0x56: {  	_ =	shalt  }
0x57: {  	_ =	shalt  }
0x58: {  	_ =	shalt  }
0x59: {  	_ =	shalt  }
0x5a: {  	_ =	shalt  }
0x5b: {  	_ =	shalt  }
0x5c: {  	_ =	shalt  }
0x5d: {  	_ =	shalt  }
0x5e: {  	_ =	shalt  }
0x5f: {  	_ =	shalt  }
0x60: {  	_ =	shalt  }
0x61: {  	_ =	shalt  }
0x62: {  	_ =	shalt  }
0x63: {  	_ =	shalt  }
0x64: {  	_ =	shalt  }
0x65: {  	_ =	shalt  }
0x66: {  	_ =	shalt  }
0x67: {  	_ =	shalt  }
0x68: {  	_ =	shalt  }
0x69: {  	_ =	shalt  }
0x6a: {  	_ =	shalt  }
0x6b: {  	_ =	shalt  }
0x6c: {  	_ =	shalt  }
0x6d: {  	_ =	shalt  }
0x6e: {  	_ =	shalt  }
0x6f: {  	_ =	shalt  }
0x70: {  	_ =	shalt  }
0x71: {  	_ =	shalt  }
0x72: {  	_ =	shalt  }
0x73: {  	_ =	shalt  }
0x74: {  	_ =	shalt  }
0x75: {  	_ =	shalt  }
0x76: {  	_ =	shalt  }
0x77: {  	_ =	shalt  }
0x78: {  	_ =	shalt  }
0x79: {  	_ =	shalt  }
0x7a: {  	_ =	shalt  }
0x7b: {  	_ =	shalt  }
0x7c: {  	_ =	shalt  }
0x7d: {  	_ =	shalt  }
0x7e: {  	_ =	shalt  }
0x7f: {  	_ =	shalt  }
0x80: {  	_ =	shalt  }
0x81: {  	_ =	shalt  }
0x82: {  	_ =	shalt  }
0x83: {  	_ =	shalt  }
0x84: {  	_ =	shalt  }
0x85: {  	_ =	shalt  }
0x86: {  	_ =	shalt  }
0x87: {  	_ =	shalt  }
.Lfunc_end0:
.L_simem_size_0:
called_computation_lowered:
.L_overlay_start_0:
0x88: {  	s0 =	sld [smem:$0x3FD9]  }
0x89: {  	s1 =	sld [smem:$0x3FFE];
	_ =	sdelay $0x3  }
0x8a: {  	s0 =	sadd.s32 s1, s0  }
0x8b: {  	[smem:$0x3FC5] =	sst s0  }
0x8c: {  	_ = 	snop  }
0x8d: {  	s0 =	sld [smem:$0x3FD0];
	_ =	sdelay $0x2  }
0x8e: {  	s13 =	simm.s32 $0xA;
	s2 =	simm.s32 $0x10  }
0x8f: {  	[smem:s2], [sflag:s13] =	dma.local [hbm:s0], $0x1  }
0x90: {  	_ =	swait.eq [sflag:s13], $0x1  }
0x91: {  	[sflag:s13] =	ssyncset.done $0x0  }
0x92: {  	[sflag:s13] =	ssyncadd.s32 $0xFFFFFFFF  }
0x93: {  	s14 =	sld [smem:$0x11];
	(tm) =	ssettm $0x1  }
0x94: {  	s15 =	sld [smem:$0x3FFB];
	_ =	sdelay $0x3  }
0x95: {  	_ =	strace s15  }
0x96: {  	s1 =	sld [smem:$0x3FFC];
	_ =	sdelay $0x3  }
0x97: {  	_ =	strace s1  }
0x98: {  	s1 =	sld [smem:$0x3FFD];
	_ =	sdelay $0x3  }
0x99: {  	_ =	strace s1  }
0x9a: {  	_ =	strace $0x8FFFFFFF  }
0x9b: {  	s16 =	sld [smem:$0x3FDB];
	_ =	sdelay $0x1  }
0x9c: {  	s17 =	simm.s32 $_scs_section_size  }
0x9d: {  	s3 =	simm.s32 $_size__tile_overlayer_lowered;
	s4 =	simm.s32 $_tile_overlayer_lowered  }
0x9e: {  	s20 =	simm.s32 $0x1BFF;
	s19 =	sshll.u32 s4, $0x1;
	s1 =	sadd.s32 s17, s16  }
0x9f: {  	s5 =	simm.s32 $0x0;
	s18 =	sshll.u32 s3, $0x1;
	s3 =	sadd.s32 s19, s1  }
0xa0: {  	[timem:s5], [sflag:s20] =	dma.local [hbm:s3], s18  }
0xa1: {  	_ =	swait.ge [sflag:s20], s18  }
0xa2: {  	s2 =	ssub.s32 $0x0, s18;
	[sflag:s20] =	ssyncset.done $0x0  }
0xa3: {  	[sflag:s20] =	ssyncadd.s32 s2;
	_ =	sdelay $0x1  }
0xa4: {  	s21 =	simm.s32 $0x1B8B  }
0xa5: {  	_ =	swait.ge [sflag:s21], $0x1  }
0xa6: {  	[sflag:s21] =	ssyncset.done $0x0  }
0xa7: {  	s23 =	simm.s32 $0x1B8E;
	s22 =	sld [smem:$0x3FFE];
	[sflag:s21] =	ssyncadd.s32 $0xFFFFFFFF  }
0xa8: {  	s24 =	simm.s32 $execute0_lowered;
	[smem:$0x3FD2] =	sst s23  }
0xa9: {  	s3 =	sshll.u32 s24, $0x1;
	_ =	strace $0x80000046;
	[dreg:$0x1] =	wrdreg $0xFFFFFFFF  }
0xaa: {  	s25 =	simm.s32 $_size_execute0_lowered;
	s1 =	sadd.s32 s1, s3;
	[dreg:$0x0] =	wrdreg $0x0  }
0xab: {  	s3 =	sshll.u32 s25, $0x1;
	[dreg:$0x2] =	wrdreg s1  }
0xac: {  	[dreg:$0x3] =	wrdreg s3  }
0xad: {  	[dreg:$0x4] =	wrdreg $0xC0  }
0xae: {  	_ =	task [dreg:s5], $0x5FFFF  }
0xaf: {  	[dreg:$0x1] =	wrdreg $0xFFFFFFFF  }
0xb0: {  	[dreg:$0x0] =	wrdreg $0x60  }
0xb1: {  	[dreg:$0x2] =	wrdreg s22  }
0xb2: {  	[dreg:$0x3] =	wrdreg s14  }
0xb3: {  	[dreg:$0x4] =	wrdreg $0x9  }
0xb4: {  	_ =	task.clear_ibuf [dreg:s5], $0x5FFFF;
	_ =	strace $0x90000046  }
0xb5: {  	s26 =	simm.s32 $0x9;
	_ =	strace $0x80000048  }
0xb6: {  	_ =	swait.ge [sflag:s26], $0x1  }
0xb7: {  	[sflag:s26] =	ssyncadd.s32 $0xFFFFFFFF  }
0xb8: {  	_ =	strace $0x90000048  }
0xb9: {  	_ =	sfence  }
0xba: {  	s28 =	sld [smem:$0x0];
	_ =	sdelay $0x1  }
0xbb: {  	s29 =	srdreg.scid  }
0xbc: {  	s30 =	sshll.u32 s29, $0xD;
	s31 =	sshrl.u32 s29, $0x2  }
0xbd: {  	s2 =	sand.u32 $0x4000, s30;
	s1 =	sand.u32 $0x1, s29;
	s0 =	sadd.s32 s31, s28  }
0xbe: {  	s1 =	sor.u32 s2, s1;
	s0 =	sshll.u32 s0, $0x11  }
0xbf: {  	s0 =	sor.u32 s0, s1  }
0xc0: {  	s0 =	sadd.s32 $0x8F2B, s0  }
0xc1: {  	[sflag:s0] =	ssyncadd.remote.s32 $0x1  }
0xc2: {  	_ =	sfence.sel $0xFFFF  }
0xc3: {  	[dreg:$0x0] =	wrdreg $0xFFFFFFFF;
	(pc) =	sbr.abs _section_cstart, $3  }
0xc4: {  	[dreg:$0x1] =	wrdreg $0xFFFFFFFF  }
0xc5: {  	_ =	task.clear_ibuf [dreg:s5], $0x2FFFF;
	_ =	strace $0x9FFFFFFF  }
0xc6: {  	(tm) =	ssettm $0x7FFFFFFF  }
0xc7: {  	_ =	shalt  }
tec
execute0_lowered:
.L_overlay_start_1:
0x0: {  	(tag) =	ssettag $0x1  }
0x1: {  	s2 =	rddreg [dreg:$0x0]  }
0x2: {  	s1 =	rddreg [dreg:$0x1];
	s3 =	stileid.u32  }
0x3: {  	s0 =	rddreg [dreg:$0x2];
	_ =	strace $0x80000047;
	p0 =	sne.s32 s3, $0x0  }
0x4: {  	_ =	sfence.sel @p0 $0x180000  }
0x5: {  	[bflag:$0x0] =	sbarrier.arrive @p0 $0xFFFF  }
0x6: {  	_ =	strace @p0 $0x90000047  }
0x7: {  	[bflag:$0x2] =	sbarrier.arrive @p0 $0xFFFF  }
0x8: {  	_ =	shalt @p0  }
.LBB2_1:
0x9: {  	s2 =	sadd.s32 $0x200, s2;
	s3 =	simm.s32 $0x0  }
0xa: {  	[tilespmem:s3], [sflag:$0x1] =	stream.linear.gather [hbm4b:s2+s3], $0x2780, $0x38;
	[tilespmem:$0x3C00] =	vst v63  }
0xb: {  	v0 =	vimm.s32 $0x0;
	s2 =	simm.s32 $0x0;
	s3 =	simm.s32 $0x400  }
.LBB2_2:
0xc: {  	p0 =	sne.s32 s3, $0x4C00;
	[tilespmem:s2+$0x2870] =	vst v0  }
0xd: {  	[tilespmem:s2+$0x2780] =	vst v0  }
0xe: {  	[tilespmem:s2+$0x2790] =	vst v0  }
0xf: {  	[tilespmem:s2+$0x27A0] =	vst v0  }
0x10: {  	[tilespmem:s2+$0x27B0] =	vst v0  }
0x11: {  	[tilespmem:s2+$0x27C0] =	vst v0  }
0x12: {  	[tilespmem:s2+$0x27D0] =	vst v0  }
0x13: {  	[tilespmem:s2+$0x27E0] =	vst v0  }
0x14: {  	[tilespmem:s2+$0x27F0] =	vst v0  }
0x15: {  	[tilespmem:s2+$0x2800] =	vst v0  }
0x16: {  	[tilespmem:s2+$0x2810] =	vst v0  }
.Ltmp0:
0x17: {  	[tilespmem:s2+$0x2820] =	vst v0;
	(pc) =	sbr.rel @p0 .LBB2_2-.Ltmp0, $4  }
0x18: {  	[tilespmem:s2+$0x2830] =	vst v0  }
0x19: {  	[tilespmem:s2+$0x2840] =	vst v0  }
0x1a: {  	[tilespmem:s2+$0x2850] =	vst v0  }
0x1b: {  	[tilespmem:s2+$0x2860] =	vst v0;
	s2 =	sshra.s32 s3, $0x2;
	s3 =	sadd.s32 $0x400, s3  }
0x1c: {  	[tilespmem:s2+$0x2870] =	vst v0  }
0x1d: {  	[tilespmem:s2+$0x2780] =	vst v0  }
0x1e: {  	[tilespmem:s2+$0x2790] =	vst v0  }
0x1f: {  	[tilespmem:s2+$0x27A0] =	vst v0  }
0x20: {  	[tilespmem:s2+$0x27B0] =	vst v0  }
0x21: {  	[tilespmem:s2+$0x27C0] =	vst v0  }
0x22: {  	[tilespmem:s2+$0x27D0] =	vst v0  }
0x23: {  	[tilespmem:s2+$0x27E0] =	vst v0  }
0x24: {  	[tilespmem:s2+$0x27F0] =	vst v0  }
0x25: {  	[tilespmem:s2+$0x2800] =	vst v0  }
0x26: {  	[tilespmem:s2+$0x2810] =	vst v0  }
0x27: {  	[tilespmem:s2+$0x2820] =	vst v0  }
0x28: {  	[tilespmem:s2+$0x2830] =	vst v0  }
0x29: {  	[tilespmem:s2+$0x2840] =	vst v0  }
0x2a: {  	[tilespmem:s2+$0x2850] =	vst v0  }
0x2b: {  	[tilespmem:s2+$0x2860] =	vst v0;
	s31 =	simm.s32 $0x1  }
0x2c: {  	_ =	swait.ge [sflag:s31], $0x2780  }
0x2d: {  	s2 =	simm.s32 $0x0;
	[sflag:s31] =	ssyncset.done $0x0  }
0x2e: {  	s3 =	simm.s32 $0xC0;
	v0 =	vimm.s32 $0x1;
	s4 =	simm.s32 $0x2780;
	[sflag:s31] =	ssyncadd.s32 $0xFFFFD880  }
.LBB2_4:
0x2f: {  	v1 =	vld [tilespmem:s3+$0xFFFFFF40];
	_ =	sdelay $0x7  }
0x30: {  	[tilespmem:v1+s4+$0x0] =	vst.idx.add.s32.msk $0xffff, v0  }
0x31: {  	v1 =	vld [tilespmem:s3+$0xFFFFFF50];
	_ =	sdelay $0x7  }
0x32: {  	[tilespmem:v1+s4+$0x0] =	vst.idx.add.s32.msk $0xffff, v0  }
0x33: {  	v1 =	vld [tilespmem:s3+$0xFFFFFF60];
	_ =	sdelay $0x7  }
0x34: {  	[tilespmem:v1+s4+$0x0] =	vst.idx.add.s32.msk $0xffff, v0  }
0x35: {  	v1 =	vld [tilespmem:s3+$0xFFFFFF70];
	_ =	sdelay $0x7  }
0x36: {  	[tilespmem:v1+s4+$0x0] =	vst.idx.add.s32.msk $0xffff, v0  }
0x37: {  	v1 =	vld [tilespmem:s3+$0xFFFFFF80];
	_ =	sdelay $0x7  }
0x38: {  	[tilespmem:v1+s4+$0x0] =	vst.idx.add.s32.msk $0xffff, v0  }
0x39: {  	v1 =	vld [tilespmem:s3+$0xFFFFFF90];
	_ =	sdelay $0x7  }
0x3a: {  	[tilespmem:v1+s4+$0x0] =	vst.idx.add.s32.msk $0xffff, v0  }
0x3b: {  	v1 =	vld [tilespmem:s3+$0xFFFFFFA0];
	_ =	sdelay $0x7  }
0x3c: {  	[tilespmem:v1+s4+$0x0] =	vst.idx.add.s32.msk $0xffff, v0  }
0x3d: {  	v1 =	vld [tilespmem:s3+$0xFFFFFFB0];
	_ =	sdelay $0x7  }
0x3e: {  	s5 =	sand.u32 $0x3FF0, s2;
	[tilespmem:v1+s4+$0x0] =	vst.idx.add.s32.msk $0xffff, v0  }
0x3f: {  	v1 =	vld [tilespmem:s5+$0x80];
	_ =	sdelay $0x7  }
0x40: {  	[tilespmem:v1+s4+$0x0] =	vst.idx.add.s32.msk $0xffff, v0  }
0x41: {  	v1 =	vld [tilespmem:s3+$0xFFFFFFD0];
	_ =	sdelay $0x7  }
0x42: {  	[tilespmem:v1+s4+$0x0] =	vst.idx.add.s32.msk $0xffff, v0  }
0x43: {  	v1 =	vld [tilespmem:s3+$0xFFFFFFE0];
	_ =	sdelay $0x7  }
0x44: {  	[tilespmem:v1+s4+$0x0] =	vst.idx.add.s32.msk $0xffff, v0  }
0x45: {  	v1 =	vld [tilespmem:s3+$0xFFFFFFF0];
	_ =	sdelay $0x7  }
0x46: {  	[tilespmem:v1+s4+$0x0] =	vst.idx.add.s32.msk $0xffff, v0  }
0x47: {  	v1 =	vld [tilespmem:s3+$0x0];
	_ =	sdelay $0x7  }
0x48: {  	[tilespmem:v1+s4+$0x0] =	vst.idx.add.s32.msk $0xffff, v0  }
0x49: {  	v1 =	vld [tilespmem:s3+$0x10];
	_ =	sdelay $0x7  }
0x4a: {  	[tilespmem:v1+s4+$0x0] =	vst.idx.add.s32.msk $0xffff, v0  }
0x4b: {  	v1 =	vld [tilespmem:s3+$0x20];
	_ =	sdelay $0x7  }
0x4c: {  	[tilespmem:v1+s4+$0x0] =	vst.idx.add.s32.msk $0xffff, v0  }
0x4d: {  	v1 =	vld [tilespmem:s3+$0x30];
	_ =	sdelay $0x7  }
0x4e: {  	[tilespmem:v1+s4+$0x0] =	vst.idx.add.s32.msk $0xffff, v0  }
0x4f: {  	v1 =	vld [tilespmem:s5+$0x100];
	_ =	sdelay $0x7  }
0x50: {  	[tilespmem:v1+s4+$0x0] =	vst.idx.add.s32.msk $0xffff, v0  }
0x51: {  	v1 =	vld [tilespmem:s3+$0x50];
	_ =	sdelay $0x7  }
0x52: {  	[tilespmem:v1+s4+$0x0] =	vst.idx.add.s32.msk $0xffff, v0  }
0x53: {  	v1 =	vld [tilespmem:s3+$0x60];
	_ =	sdelay $0x7  }
0x54: {  	[tilespmem:v1+s4+$0x0] =	vst.idx.add.s32.msk $0xffff, v0  }
0x55: {  	v1 =	vld [tilespmem:s3+$0x70];
	_ =	sdelay $0x7  }
0x56: {  	[tilespmem:v1+s4+$0x0] =	vst.idx.add.s32.msk $0xffff, v0  }
0x57: {  	v1 =	vld [tilespmem:s3+$0x80];
	_ =	sdelay $0x7  }
0x58: {  	[tilespmem:v1+s4+$0x0] =	vst.idx.add.s32.msk $0xffff, v0  }
0x59: {  	v1 =	vld [tilespmem:s3+$0x90];
	_ =	sdelay $0x7  }
0x5a: {  	[tilespmem:v1+s4+$0x0] =	vst.idx.add.s32.msk $0xffff, v0  }
0x5b: {  	v1 =	vld [tilespmem:s3+$0xA0];
	_ =	sdelay $0x7  }
0x5c: {  	[tilespmem:v1+s4+$0x0] =	vst.idx.add.s32.msk $0xffff, v0  }
0x5d: {  	v1 =	vld [tilespmem:s3+$0xB0];
	_ =	sdelay $0x7  }
0x5e: {  	[tilespmem:v1+s4+$0x0] =	vst.idx.add.s32.msk $0xffff, v0  }
0x5f: {  	v1 =	vld [tilespmem:s5+$0x180];
	_ =	sdelay $0x2  }
0x60: {  	p0 =	sne.s32 s2, $0x2580  }
.Ltmp1:
0x61: {  	_ = 	snop;
	(pc) =	sbr.rel @p0 .LBB2_4-.Ltmp1, $2  }
0x62: {  	_ =	sdelay $0x2  }
0x63: {  	s2 =	sadd.s32 $0x190, s2;
	s3 =	sadd.s32 $0x190, s3;
	[tilespmem:v1+s4+$0x0] =	vst.idx.add.s32.msk $0xffff, v0  }
0x64: {  	v1 =	vld [tilespmem:$0x2780]  }
0x65: {  	v0 =	vld [tilespmem:$0x2980]  }
0x66: {  	v2 =	vld [tilespmem:$0x2B80]  }
0x67: {  	v3 =	vld [tilespmem:$0x2D80]  }
0x68: {  	v6 =	vld [tilespmem:$0x2F80]  }
0x69: {  	v7 =	vld [tilespmem:$0x3180]  }
0x6a: {  	v10 =	vld [tilespmem:$0x3380]  }
0x6b: {  	v13 =	vld [tilespmem:$0x3580]  }
0x6c: {  	v18 =	vld [tilespmem:$0x3780]  }
0x6d: {  	v22 =	vld [tilespmem:$0x3980]  }
0x6e: {  	v9 =	vld [tilespmem:$0x2790]  }
0x6f: {  	v8 =	vld [tilespmem:$0x2990]  }
0x70: {  	v12 =	vld [tilespmem:$0x2B90]  }
0x71: {  	v17 =	vld [tilespmem:$0x2D90]  }
0x72: {  	v63 =	vld [tilespmem:$0x37E0];
	_ =	sdelay $0x4  }
0x73: {  	[tilespmem:$0x1FAE0] =	vst v63;
	v63 =	vld [tilespmem:$0x27F0];
	_ =	sdelay $0x4  }
0x74: {  	[tilespmem:$0x1FAA0] =	vst v63;
	v63 =	vld [tilespmem:$0x2BF0];
	_ =	sdelay $0x4  }
0x75: {  	[tilespmem:$0x1FAD0] =	vst v63;
	v63 =	vld [tilespmem:$0x2FF0];
	_ =	sdelay $0x4  }
0x76: {  	[tilespmem:$0x1FB30] =	vst v63;
	v63 =	vld [tilespmem:$0x33F0];
	_ =	sdelay $0x4  }
0x77: {  	[tilespmem:$0x1FBA0] =	vst v63;
	v63 =	vld [tilespmem:$0x37F0];
	_ =	sdelay $0x4  }
0x78: {  	[tilespmem:$0x1FC00] =	vst v63;
	v63 =	vld [tilespmem:$0x2C00];
	_ =	sdelay $0x4  }
0x79: {  	[tilespmem:$0x1FAF0] =	vst v63;
	v63 =	vld [tilespmem:$0x2E00];
	_ =	sdelay $0x4  }
0x7a: {  	[tilespmem:$0x1FB20] =	vst v63;
	v63 =	vld [tilespmem:$0x3000];
	_ =	sdelay $0x4  }
0x7b: {  	[tilespmem:$0x1FB40] =	vst v63;
	v63 =	vld [tilespmem:$0x3200];
	_ =	sdelay $0x4  }
0x7c: {  	[tilespmem:$0x1FB80] =	vst v63;
	v63 =	vld [tilespmem:$0x3400];
	_ =	sdelay $0x4  }
0x7d: {  	[tilespmem:$0x1FBB0] =	vst v63;
	v63 =	vld [tilespmem:$0x3600];
	_ =	sdelay $0x4  }
0x7e: {  	[tilespmem:$0x1FBE0] =	vst v63;
	v63 =	vld [tilespmem:$0x3800];
	_ =	sdelay $0x4  }
0x7f: {  	[tilespmem:$0x1FC10] =	vst v63;
	v63 =	vld [tilespmem:$0x3A00];
	_ =	sdelay $0x4  }
0x80: {  	[tilespmem:$0x1FC40] =	vst v63;
	v63 =	vld [tilespmem:$0x2810];
	_ =	sdelay $0x4  }
0x81: {  	[tilespmem:$0x1FB50] =	vst v63;
	v63 =	vld [tilespmem:$0x2A10];
	_ =	sdelay $0x4  }
0x82: {  	[tilespmem:$0x1FB60] =	vst v63;
	v63 =	vld [tilespmem:$0x2C10];
	_ =	sdelay $0x4  }
0x83: {  	[tilespmem:$0x1FB90] =	vst v63;
	v63 =	vld [tilespmem:$0x2E10];
	_ =	sdelay $0x4  }
0x84: {  	[tilespmem:$0x1FBC0] =	vst v63;
	v63 =	vld [tilespmem:$0x3010];
	_ =	sdelay $0x4  }
0x85: {  	[tilespmem:$0x1FBF0] =	vst v63;
	v63 =	vld [tilespmem:$0x3210];
	_ =	sdelay $0x4  }
0x86: {  	[tilespmem:$0x1FC20] =	vst v63;
	v63 =	vld [tilespmem:$0x3410];
	_ =	sdelay $0x4  }
0x87: {  	[tilespmem:$0x1FC50] =	vst v63;
	v63 =	vld [tilespmem:$0x3610];
	_ =	sdelay $0x4  }
0x88: {  	[tilespmem:$0x1FC80] =	vst v63;
	v63 =	vld [tilespmem:$0x3810];
	_ =	sdelay $0x4  }
0x89: {  	[tilespmem:$0x1FCC0] =	vst v63;
	v63 =	vld [tilespmem:$0x3A10];
	_ =	sdelay $0x4  }
0x8a: {  	[tilespmem:$0x1FCF0] =	vst v63;
	v63 =	vld [tilespmem:$0x2820];
	_ =	sdelay $0x4  }
0x8b: {  	[tilespmem:$0x1FC60] =	vst v63;
	v63 =	vld [tilespmem:$0x2A20];
	_ =	sdelay $0x4  }
0x8c: {  	[tilespmem:$0x1FC70] =	vst v63;
	v63 =	vld [tilespmem:$0x2C20];
	_ =	sdelay $0x4  }
0x8d: {  	[tilespmem:$0x1FCB0] =	vst v63;
	v63 =	vld [tilespmem:$0x2E20];
	_ =	sdelay $0x4  }
0x8e: {  	[tilespmem:$0x1FCE0] =	vst v63;
	v63 =	vld [tilespmem:$0x3020];
	_ =	sdelay $0x1  }
0x8f: {  	v21 =	vld [tilespmem:$0x2F90]  }
0x90: {  	v25 =	vld [tilespmem:$0x3190]  }
0x91: {  	v28 =	vld [tilespmem:$0x3390]  }
0x92: {  	[tilespmem:$0x1FD10] =	vst v63;
	v63 =	vld [tilespmem:$0x3220]  }
0x93: {  	v43 =	vld [tilespmem:$0x3590]  }
0x94: {  	v40 =	vld [tilespmem:$0x3790]  }
0x95: {  	v47 =	vld [tilespmem:$0x3990]  }
0x96: {  	v5 =	vld [tilespmem:$0x27A0]  }
0x97: {  	[tilespmem:$0x1FD50] =	vst v63;
	v63 =	vld [tilespmem:$0x3420]  }
0x98: {  	v4 =	vld [tilespmem:$0x29A0]  }
0x99: {  	v11 =	vld [tilespmem:$0x2BA0]  }
0x9a: {  	v14 =	vld [tilespmem:$0x2DA0]  }
0x9b: {  	v19 =	vld [tilespmem:$0x2FA0]  }
0x9c: {  	[tilespmem:$0x1FD80] =	vst v63;
	v63 =	vld [tilespmem:$0x3620]  }
0x9d: {  	v23 =	vld [tilespmem:$0x31A0]  }
0x9e: {  	v26 =	vld [tilespmem:$0x33A0]  }
0x9f: {  	v29 =	vld [tilespmem:$0x35A0]  }
0xa0: {  	v50 =	vld [tilespmem:$0x37A0]  }
0xa1: {  	[tilespmem:$0x1FDB0] =	vst v63;
	v63 =	vld [tilespmem:$0x3820]  }
0xa2: {  	v59 =	vld [tilespmem:$0x39A0]  }
0xa3: {  	v16 =	vld [tilespmem:$0x27B0]  }
0xa4: {  	v15 =	vld [tilespmem:$0x29B0]  }
0xa5: {  	v20 =	vld [tilespmem:$0x2BB0]  }
0xa6: {  	[tilespmem:$0x1FDE0] =	vst v63;
	v63 =	vld [tilespmem:$0x3A20]  }
0xa7: {  	v24 =	vld [tilespmem:$0x2DB0]  }
0xa8: {  	v27 =	vld [tilespmem:$0x2FB0]  }
0xa9: {  	v30 =	vld [tilespmem:$0x31B0]  }
0xaa: {  	v55 =	vld [tilespmem:$0x33B0]  }
0xab: {  	[tilespmem:$0x1FE10] =	vst v63;
	v63 =	vld [tilespmem:$0x2830]  }
0xac: {  	v36 =	vld [tilespmem:$0x35B0]  }
0xad: {  	v42 =	vld [tilespmem:$0x37B0]  }
0xae: {  	v48 =	vld [tilespmem:$0x39B0]  }
0xaf: {  	v49 =	vld [tilespmem:$0x27C0]  }
0xb0: {  	[tilespmem:$0x1FC90] =	vst v63;
	v63 =	vld [tilespmem:$0x2A30]  }
0xb1: {  	v33 =	vld [tilespmem:$0x29C0]  }
0xb2: {  	v35 =	vld [tilespmem:$0x2BC0]  }
0xb3: {  	v41 =	vld [tilespmem:$0x2DC0]  }
0xb4: {  	v46 =	vld [tilespmem:$0x2FC0]  }
0xb5: {  	[tilespmem:$0x1FCA0] =	vst v63;
	v63 =	vld [tilespmem:$0x2C30]  }
0xb6: {  	v53 =	vld [tilespmem:$0x31C0]  }
0xb7: {  	v57 =	vld [tilespmem:$0x33C0]  }
0xb8: {  	v31 =	vld [tilespmem:$0x35C0]  }
0xb9: {  	v58 =	vld [tilespmem:$0x37C0]  }
0xba: {  	[tilespmem:$0x1FCD0] =	vst v63;
	v63 =	vld [tilespmem:$0x2E30]  }
0xbb: {  	v60 =	vld [tilespmem:$0x39C0]  }
0xbc: {  	v32 =	vld [tilespmem:$0x27D0]  }
0xbd: {  	v34 =	vld [tilespmem:$0x2BD0]  }
0xbe: {  	v38 =	vld [tilespmem:$0x2DD0]  }
0xbf: {  	[tilespmem:$0x1FD00] =	vst v63;
	v63 =	vld [tilespmem:$0x3030]  }
0xc0: {  	v44 =	vld [tilespmem:$0x2FD0]  }
0xc1: {  	v51 =	vld [tilespmem:$0x31D0]  }
0xc2: {  	v54 =	vld [tilespmem:$0x33D0]  }
0xc3: {  	v37 =	vld [tilespmem:$0x37D0]  }
0xc4: {  	[tilespmem:$0x1FD20] =	vst v63;
	v63 =	vld [tilespmem:$0x3230]  }
0xc5: {  	v61 =	vld [tilespmem:$0x39D0]  }
0xc6: {  	v39 =	vld [tilespmem:$0x27E0]  }
0xc7: {  	v45 =	vld [tilespmem:$0x2BE0]  }
0xc8: {  	v52 =	vld [tilespmem:$0x2DE0]  }
0xc9: {  	[tilespmem:$0x1FD60] =	vst v63;
	v63 =	vld [tilespmem:$0x3430]  }
0xca: {  	v62 =	vld [tilespmem:$0x35E0]  }
0xcb: {  	v56 =	vld [tilespmem:$0x2FE0]  }
0xcc: {  	[tilespmem:$0x1FA40] =	vst v31;
	v31 =	vld [tilespmem:$0x29D0]  }
0xcd: {  	[tilespmem:$0x1FA70] =	vst v60;
	v60 =	vld [tilespmem:$0x35D0]  }
0xce: {  	vm0 =	vgt.s32 v1, v0;
	[tilespmem:$0x1FD90] =	vst v63;
	v63 =	vld [tilespmem:$0x3630]  }
0xcf: {  	[tilespmem:$0x1FAC0] =	vst v62;
	v62 =	vld [tilespmem:$0x39E0];
	v0 =	vsel vm0, v1, v0  }
0xd0: {  	[tilespmem:$0x1FA50] =	vst v58;
	v58 =	vld [tilespmem:$0x33E0];
	vm0 =	vgt.s32 v0, v2  }
0xd1: {  	[tilespmem:$0x1FA60] =	vst v37;
	v37 =	vld [tilespmem:$0x29E0];
	v0 =	vsel vm0, v0, v2  }
0xd2: {  	[tilespmem:$0x1FA80] =	vst v61;
	v61 =	vld [tilespmem:$0x31E0];
	vm0 =	vgt.s32 v0, v3  }
0xd3: {  	v0 =	vsel vm0, v0, v3;
	[tilespmem:$0x1FDC0] =	vst v63;
	v63 =	vld [tilespmem:$0x3830]  }
0xd4: {  	[tilespmem:$0x1FB10] =	vst v62;
	v62 =	vld [tilespmem:$0x29F0];
	vm0 =	vgt.s32 v0, v6  }
0xd5: {  	[tilespmem:$0x1FA90] =	vst v58;
	v58 =	vld [tilespmem:$0x2A00];
	v0 =	vsel vm0, v0, v6  }
0xd6: {  	v6 =	vld [tilespmem:$0x2E40];
	vm0 =	vgt.s32 v0, v7  }
0xd7: {  	v0 =	vsel vm0, v0, v7;
	v7 =	vld [tilespmem:$0x3440]  }
0xd8: {  	[tilespmem:$0x1FDF0] =	vst v63;
	v63 =	vld [tilespmem:$0x3A30]  }
0xd9: {  	[tilespmem:$0x1FAB0] =	vst v62;
	v62 =	vld [tilespmem:$0x2DF0];
	vm0 =	vgt.s32 v0, v10  }
0xda: {  	v0 =	vsel vm0, v0, v10;
	v10 =	vld [tilespmem:$0x3640]  }
0xdb: {  	[tilespmem:$0x1FDA0] =	vst v6;
	v6 =	vld [tilespmem:$0x3240];
	vm4 =	vgt.s32 v0, v13  }
0xdc: {  	v0 =	vsel vm4, v0, v13;
	v13 =	vld [tilespmem:$0x2E50]  }
0xdd: {  	vm1 =	vgt.s32 v5, v4;
	[tilespmem:$0x1FE20] =	vst v63;
	v63 =	vld [tilespmem:$0x2840]  }
0xde: {  	[tilespmem:$0x1FE30] =	vst v7;
	v7 =	vsel vm1, v5, v4;
	v5 =	vld [tilespmem:$0x28C0]  }
0xdf: {  	v4 =	vld [tilespmem:$0x2AC0]  }
0xe0: {  	vm6 =	vgt.s32 v0, v18;
	[tilespmem:$0x1FB00] =	vst v62;
	v62 =	vld [tilespmem:$0x31F0]  }
0xe1: {  	v0 =	vsel vm6, v0, v18;
	v18 =	vld [tilespmem:$0x2A50]  }
0xe2: {  	[tilespmem:$0x1FD30] =	vst v63;
	v63 =	vld [tilespmem:$0x2A40]  }
0xe3: {  	vm1 =	vgt.s32 v7, v11;
	[tilespmem:$0x1FE40] =	vst v10;
	v10 =	vld [tilespmem:$0x3A40]  }
0xe4: {  	v2 =	vsel vm1, v7, v11;
	v11 =	vld [tilespmem:$0x2C50]  }
0xe5: {  	v7 =	vld [tilespmem:$0x2C70]  }
0xe6: {  	[tilespmem:$0x1FB70] =	vst v62;
	v62 =	vld [tilespmem:$0x35F0]  }
0xe7: {  	[tilespmem:$0x1FD40] =	vst v63;
	v63 =	vld [tilespmem:$0x2C40]  }
0xe8: {  	vm8 =	vgt.s32 v0, v22;
	[tilespmem:$0x1FE00] =	vst v6;
	v6 =	vld [tilespmem:$0x3840]  }
0xe9: {  	v0 =	vsel vm8, v0, v22;
	v22 =	vld [tilespmem:$0x3650];
	[tilespmem:$0x1FE70] =	vst v13  }
0xea: {  	v13 =	vld [tilespmem:$0x1FAC0];
	[tilespmem:$0x1FE80] =	vst v10  }
0xeb: {  	[tilespmem:$0x1FBD0] =	vst v62;
	v62 =	vld [tilespmem:$0x39F0]  }
0xec: {  	[tilespmem:$0x1FD70] =	vst v63;
	v63 =	vld [tilespmem:$0x3040]  }
0xed: {  	[tilespmem:$0x1FE50] =	vst v11;
	v10 =	vld [tilespmem:$0x2A80]  }
0xee: {  	v11 =	vld [tilespmem:$0x1FAA0];
	[tilespmem:$0x1FE60] =	vst v6  }
0xef: {  	[tilespmem:$0x1FEC0] =	vst v22;
	v22 =	vld [tilespmem:$0x2C80]  }
0xf0: {  	vm15 =	vgt.s32 v9, v8;
	v6 =	vld [tilespmem:$0x2890];
	[tilespmem:$0x1FC30] =	vst v62  }
0xf1: {  	v62 =	vld [tilespmem:$0x2800];
	[tilespmem:$0x1FDD0] =	vst v63;
	v63 =	vsel vm15, v9, v8  }
0xf2: {  	vm1 =	vgt.s32 v2, v14;
	v9 =	vld [tilespmem:$0x2850];
	vm5 =	vgt.s32 v63, v12  }
0xf3: {  	v1 =	vsel vm5, v63, v12;
	v12 =	vsel vm1, v2, v14;
	v14 =	vld [tilespmem:$0x3050]  }
0xf4: {  	v63 =	vld [tilespmem:$0x1FA90];
	vm10 =	vgt.s32 v12, v19  }
0xf5: {  	vm11 =	vgt.s32 v16, v15;
	[tilespmem:$0x1FF40] =	vst v0;
	vm7 =	vgt.s32 v1, v17;
	v0 =	vsel vm10, v12, v19;
	v19 =	vld [tilespmem:$0x3250]  }
0xf6: {  	v1 =	vsel vm7, v1, v17;
	v17 =	vsel vm11, v16, v15;
	v15 =	vld [tilespmem:$0x2870]  }
0xf7: {  	v12 =	vld [tilespmem:$0x1FAB0]  }
0xf8: {  	v16 =	vld [tilespmem:$0x1FAD0];
	vm9 =	vgt.s32 v1, v21  }
0xf9: {  	vm13 =	vgt.s32 v0, v23;
	v1 =	vsel vm9, v1, v21;
	v21 =	vld [tilespmem:$0x3450]  }
0xfa: {  	vm1 =	vgt.s32 v17, v20;
	v0 =	vsel vm13, v0, v23;
	v23 =	vld [tilespmem:$0x3850]  }
0xfb: {  	v2 =	vsel vm1, v17, v20;
	v17 =	vld [tilespmem:$0x1FAE0]  }
0xfc: {  	v20 =	vld [tilespmem:$0x1FAF0];
	vm12 =	vgt.s32 v1, v25  }
0xfd: {  	vm1 =	vgt.s32 v2, v24;
	v1 =	vsel vm12, v1, v25;
	v25 =	vld [tilespmem:$0x3A50]  }
0xfe: {  	v2 =	vsel vm1, v2, v24;
	vm12 =	vgt.s32 v32, v31;
	v24 =	vld [tilespmem:$0x1FB20]  }
0xff: {  	v32 =	vsel vm12, v32, v31;
	v31 =	vld [tilespmem:$0x3270]  }
0x100: {  	[tilespmem:$0x1FEA0] =	vst v19;
	vm14 =	vgt.s32 v1, v28;
	v19 =	vld [tilespmem:$0x2E80]  }
0x101: {  	vm15 =	vgt.s32 v0, v26;
	vm1 =	vgt.s32 v2, v27;
	v1 =	vsel vm14, v1, v28;
	v28 =	vld [tilespmem:$0x2860]  }
0x102: {  	v0 =	vsel vm15, v0, v26;
	v2 =	vsel vm1, v2, v27;
	v27 =	vld [tilespmem:$0x2880]  }
0x103: {  	vm5 =	vgt.s32 v0, v29;
	[tilespmem:$0x1FEB0] =	vst v21;
	v21 =	vld [tilespmem:$0x1FB00]  }
0x104: {  	v0 =	vsel vm5, v0, v29;
	[tilespmem:$0x1FEE0] =	vst v23;
	vm4 =	vgt.s32 v1, v43;
	v23 =	vld [tilespmem:$0x1FB10]  }
0x105: {  	vm7 =	vgt.s32 v0, v50;
	v26 =	vsel vm4, v1, v43;
	v1 =	vld [tilespmem:$0x2A60]  }
0x106: {  	vm10 =	vgt.s32 v49, v33;
	vm1 =	vgt.s32 v2, v30;
	v0 =	vsel vm7, v0, v50;
	v50 =	vld [tilespmem:$0x2E60]  }
0x107: {  	v2 =	vsel vm1, v2, v30;
	v30 =	vsel vm10, v49, v33;
	v33 =	vld [tilespmem:$0x3660]  }
0x108: {  	v43 =	vld [tilespmem:$0x3A60];
	vm7 =	vgt.s32 v39, v37  }
0x109: {  	v49 =	vsel vm7, v39, v37;
	v37 =	vld [tilespmem:$0x3670]  }
0x10a: {  	vm6 =	vgt.s32 v26, v40;
	v39 =	vld [tilespmem:$0x3280]  }
0x10b: {  	vm9 =	vgt.s32 v0, v59;
	v3 =	vsel vm6, v26, v40;
	v40 =	vld [tilespmem:$0x2C60]  }
0x10c: {  	vm1 =	vgt.s32 v2, v55;
	v0 =	vsel vm9, v0, v59;
	v59 =	vld [tilespmem:$0x3260]  }
0x10d: {  	v29 =	vsel vm1, v2, v55;
	v55 =	vld [tilespmem:$0x3460]  }
0x10e: {  	vm13 =	vgt.s32 v30, v35;
	v26 =	vld [tilespmem:$0x1FB30]  }
0x10f: {  	v2 =	vsel vm13, v30, v35;
	v30 =	vld [tilespmem:$0x3A80]  }
0x110: {  	v35 =	vld [tilespmem:$0x1FB50];
	vm8 =	vgt.s32 v3, v47  }
0x111: {  	vm11 =	vgt.s32 v29, v36;
	v3 =	vsel vm8, v3, v47;
	v47 =	vld [tilespmem:$0x3060]  }
0x112: {  	[tilespmem:$0x1FF60] =	vst v0;
	v0 =	vsel vm11, v29, v36;
	v36 =	vld [tilespmem:$0x3860]  }
0x113: {  	v29 =	vld [tilespmem:$0x3070]  }
0x114: {  	vm1 =	vgt.s32 v32, v34;
	[tilespmem:$0x1FF10] =	vst v43;
	v43 =	vld [tilespmem:$0x2A70]  }
0x115: {  	[tilespmem:$0x1FF50] =	vst v3;
	v3 =	vsel vm1, v32, v34;
	v32 =	vld [tilespmem:$0x3470]  }
0x116: {  	vm15 =	vgt.s32 v2, v41;
	v34 =	vld [tilespmem:$0x3080]  }
0x117: {  	v2 =	vsel vm15, v2, v41;
	[tilespmem:$0x1FED0] =	vst v33;
	vm14 =	vgt.s32 v0, v42;
	v33 =	vld [tilespmem:$0x1FB40]  }
0x118: {  	vm5 =	vgt.s32 v2, v46;
	v0 =	vsel vm14, v0, v42;
	v42 =	vld [tilespmem:$0x1FB70]  }
0x119: {  	v2 =	vsel vm5, v2, v46;
	v46 =	vld [tilespmem:$0x1FBA0]  }
0x11a: {  	vm1 =	vgt.s32 v3, v38;
	vm4 =	vgt.s32 v0, v48;
	[tilespmem:$0x1FF30] =	vst v30;
	v30 =	vld [tilespmem:$0x1FC70]  }
0x11b: {  	vm8 =	vgt.s32 v2, v53;
	v0 =	vsel vm4, v0, v48;
	v48 =	vsel vm1, v3, v38;
	v38 =	vld [tilespmem:$0x2E70]  }
0x11c: {  	v2 =	vsel vm8, v2, v53;
	vm1 =	vgt.s32 v49, v45;
	v53 =	vld [tilespmem:$0x1FA40]  }
0x11d: {  	v3 =	vsel vm1, v49, v45;
	v49 =	vld [tilespmem:$0x3870]  }
0x11e: {  	[tilespmem:$0x1FEF0] =	vst v36;
	v36 =	vld [tilespmem:$0x1FB60]  }
0x11f: {  	vm8 =	vgt.s32 v62, v58;
	v45 =	vld [tilespmem:$0x1FB90]  }
0x120: {  	[tilespmem:$0x1FE90] =	vst v14;
	v14 =	vsel vm8, v62, v58;
	v58 =	vld [tilespmem:$0x1FC10]  }
0x121: {  	vm10 =	vgt.s32 v2, v57;
	v62 =	vld [tilespmem:$0x1FC20]  }
0x122: {  	vm6 =	vgt.s32 v48, v44;
	v2 =	vsel vm10, v2, v57;
	v57 =	vld [tilespmem:$0x1FA60]  }
0x123: {  	[tilespmem:$0x1FF70] =	vst v0;
	v0 =	vsel vm6, v48, v44;
	v44 =	vld [tilespmem:$0x1FB80]  }
0x124: {  	vm1 =	vgt.s32 v3, v52;
	v48 =	vld [tilespmem:$0x1FBB0];
	vm9 =	vgt.s32 v0, v51  }
0x125: {  	v3 =	vsel vm1, v3, v52;
	v52 =	vld [tilespmem:$0x1FBD0];
	v0 =	vsel vm9, v0, v51  }
0x126: {  	v51 =	vld [tilespmem:$0x1FBC0];
	vm11 =	vgt.s32 v0, v54  }
0x127: {  	vm1 =	vgt.s32 v3, v56;
	v0 =	vsel vm11, v0, v54;
	v54 =	vld [tilespmem:$0x1FA50]  }
0x128: {  	v3 =	vsel vm1, v3, v56;
	v56 =	vld [tilespmem:$0x3A70];
	vm13 =	vgt.s32 v0, v60  }
0x129: {  	vm12 =	vgt.s32 v2, v53;
	vm1 =	vgt.s32 v3, v61;
	v0 =	vsel vm13, v0, v60;
	v60 =	vld [tilespmem:$0x1FA70]  }
0x12a: {  	v2 =	vsel vm12, v2, v53;
	v53 =	vld [tilespmem:$0x1FBE0];
	v3 =	vsel vm1, v3, v61  }
0x12b: {  	vm6 =	vgt.s32 v11, v12;
	v61 =	vld [tilespmem:$0x1FA80];
	vm1 =	vgt.s32 v3, v63;
	vm15 =	vgt.s32 v0, v57  }
0x12c: {  	v8 =	vsel vm1, v3, v63;
	vm1 =	vgt.s32 v14, v20;
	v63 =	vld [tilespmem:$0x1FC30];
	vm14 =	vgt.s32 v2, v54  }
0x12d: {  	[tilespmem:$0x1FF20] =	vst v56;
	v0 =	vsel vm15, v0, v57;
	vm7 =	vgt.s32 v8, v13;
	v56 =	vld [tilespmem:$0x3480];
	v2 =	vsel vm14, v2, v54  }
0x12e: {  	v3 =	vsel vm1, v14, v20;
	vm15 =	vgt.s32 v35, v36;
	v14 =	vld [tilespmem:$0x2A90];
	vm4 =	vgt.s32 v2, v60  }
0x12f: {  	[tilespmem:$0x1FF00] =	vst v25;
	v20 =	vld [tilespmem:$0x2C90];
	vm1 =	vgt.s32 v3, v24;
	v41 =	vsel vm15, v35, v36;
	v2 =	vsel vm4, v2, v60  }
0x130: {  	v57 =	vld [tilespmem:$0x1FC00];
	vm5 =	vgt.s32 v0, v61;
	v25 =	vsel vm1, v3, v24;
	[tilespmem:$0x1FF80] =	vst v2;
	v2 =	vsel vm6, v11, v12  }
0x131: {  	vm1 =	vgt.s32 v41, v45;
	v54 =	vld [tilespmem:$0x1FBF0];
	v0 =	vsel vm5, v0, v61;
	vm9 =	vgt.s32 v2, v16  }
0x132: {  	v35 =	vld [tilespmem:$0x1FC90];
	vm14 =	vgt.s32 v25, v33;
	[tilespmem:$0x1FF90] =	vst v0;
	v0 =	vsel vm7, v8, v13;
	v2 =	vsel vm9, v2, v16  }
0x133: {  	v36 =	vld [tilespmem:$0x1FCA0];
	v3 =	vsel vm1, v41, v45;
	vm10 =	vgt.s32 v0, v17;
	vm11 =	vgt.s32 v2, v21  }
0x134: {  	v61 =	vld [tilespmem:$0x3880];
	vm1 =	vgt.s32 v3, v51;
	v0 =	vsel vm10, v0, v17;
	v2 =	vsel vm11, v2, v21  }
0x135: {  	v3 =	vsel vm1, v3, v51;
	v12 =	vld [tilespmem:$0x1FC50];
	vm12 =	vgt.s32 v0, v23;
	vm13 =	vgt.s32 v2, v26  }
0x136: {  	v45 =	vld [tilespmem:$0x1FCD0];
	vm1 =	vgt.s32 v3, v54;
	v0 =	vsel vm12, v0, v23;
	v2 =	vsel vm13, v2, v26  }
0x137: {  	v60 =	vld [tilespmem:$0x3680];
	v3 =	vsel vm1, v3, v54;
	[tilespmem:$0x1FFA0] =	vst v0;
	v0 =	vsel vm14, v25, v33;
	vm4 =	vgt.s32 v2, v42  }
0x138: {  	v11 =	vld [tilespmem:$0x1FC40];
	vm1 =	vgt.s32 v3, v62;
	vm5 =	vgt.s32 v0, v44;
	v2 =	vsel vm4, v2, v42  }
0x139: {  	v54 =	vld [tilespmem:$0x1FCF0];
	v3 =	vsel vm1, v3, v62;
	v0 =	vsel vm5, v0, v44;
	vm6 =	vgt.s32 v2, v46  }
0x13a: {  	vm1 =	vgt.s32 v3, v12;
	v26 =	vld [tilespmem:$0x1FC60];
	vm7 =	vgt.s32 v0, v48;
	v2 =	vsel vm6, v2, v46  }
0x13b: {  	v33 =	vld [tilespmem:$0x1FC80];
	v24 =	vsel vm1, v3, v12;
	v0 =	vsel vm7, v0, v48;
	vm8 =	vgt.s32 v2, v52  }
0x13c: {  	v44 =	vld [tilespmem:$0x1FCC0];
	vm4 =	vgt.s32 v35, v36;
	vm9 =	vgt.s32 v0, v53;
	v2 =	vsel vm8, v2, v52  }
0x13d: {  	v42 =	vld [tilespmem:$0x1FCB0];
	v41 =	vsel vm4, v35, v36;
	v0 =	vsel vm9, v0, v53;
	vm10 =	vgt.s32 v2, v57  }
0x13e: {  	v35 =	vld [tilespmem:$0x1FD40];
	vm1 =	vgt.s32 v41, v45;
	vm11 =	vgt.s32 v0, v58;
	v2 =	vsel vm10, v2, v57  }
0x13f: {  	v46 =	vld [tilespmem:$0x1FCE0];
	vm14 =	vgt.s32 v26, v30;
	v0 =	vsel vm11, v0, v58;
	vm12 =	vgt.s32 v2, v63  }
0x140: {  	v3 =	vsel vm1, v41, v45;
	v45 =	vld [tilespmem:$0x1FD60];
	vm13 =	vgt.s32 v0, v11;
	v2 =	vsel vm12, v2, v63  }
0x141: {  	vm15 =	vgt.s32 v24, v33;
	v0 =	vsel vm13, v0, v11;
	v57 =	vld [tilespmem:$0x1FD00];
	[tilespmem:$0x1FFB0] =	vst v2;
	v2 =	vsel vm14, v26, v30  }
0x142: {  	[tilespmem:$0x1FFC0] =	vst v0;
	v0 =	vsel vm15, v24, v33;
	v33 =	vld [tilespmem:$0x1FD30];
	vm5 =	vgt.s32 v2, v42  }
0x143: {  	v26 =	vld [tilespmem:$0x1FD10];
	v2 =	vsel vm5, v2, v42  }
0x144: {  	v30 =	vld [tilespmem:$0x1FD20];
	vm7 =	vgt.s32 v2, v46  }
0x145: {  	v2 =	vsel vm7, v2, v46;
	v46 =	vld [tilespmem:$0x1FD70]  }
0x146: {  	v24 =	vld [tilespmem:$0x1FDA0];
	vm6 =	vgt.s32 v0, v44  }
0x147: {  	v0 =	vsel vm6, v0, v44;
	v42 =	vld [tilespmem:$0x1FD50]  }
0x148: {  	v48 =	vld [tilespmem:$0x1FD80];
	vm8 =	vgt.s32 v0, v54;
	vm1 =	vgt.s32 v3, v57;
	vm11 =	vgt.s32 v33, v35  }
0x149: {  	v52 =	vld [tilespmem:$0x1FD90];
	v0 =	vsel vm8, v0, v54;
	v62 =	vsel vm1, v3, v57;
	v36 =	vsel vm11, v33, v35  }
0x14a: {  	v33 =	vld [tilespmem:$0x1FDB0];
	vm9 =	vgt.s32 v2, v26;
	vm10 =	vgt.s32 v62, v30;
	vm1 =	vgt.s32 v36, v46  }
0x14b: {  	[tilespmem:$0x1FFD0] =	vst v0;
	v35 =	vld [tilespmem:$0x1FDC0];
	v2 =	vsel vm9, v2, v26;
	v0 =	vsel vm10, v62, v30;
	v3 =	vsel vm1, v36, v46  }
0x14c: {  	v13 =	vld [tilespmem:$0x2E90];
	vm12 =	vgt.s32 v2, v42;
	vm13 =	vgt.s32 v0, v45;
	vm1 =	vgt.s32 v3, v24  }
0x14d: {  	v2 =	vsel vm12, v2, v42;
	v0 =	vsel vm13, v0, v45;
	v3 =	vsel vm1, v3, v24;
	v24 =	vld [tilespmem:$0x1FDF0]  }
0x14e: {  	vm14 =	vgt.s32 v2, v48;
	vm15 =	vgt.s32 v0, v52;
	v36 =	vld [tilespmem:$0x1FDD0]  }
0x14f: {  	v2 =	vsel vm14, v2, v48;
	v0 =	vsel vm15, v0, v52;
	v46 =	vld [tilespmem:$0x1FE20]  }
0x150: {  	v42 =	vld [tilespmem:$0x1FDE0];
	vm4 =	vgt.s32 v2, v33;
	vm5 =	vgt.s32 v0, v35  }
0x151: {  	v2 =	vsel vm4, v2, v33;
	v0 =	vsel vm5, v0, v35;
	v33 =	vld [tilespmem:$0x1FE00]  }
0x152: {  	v35 =	vld [tilespmem:$0x1FE10];
	vm7 =	vgt.s32 v0, v24  }
0x153: {  	v0 =	vsel vm7, v0, v24;
	v24 =	vld [tilespmem:$0x1FE30]  }
0x154: {  	v8 =	vld [tilespmem:$0x3490];
	vm10 =	vgt.s32 v9, v18;
	vm1 =	vgt.s32 v3, v36;
	vm9 =	vgt.s32 v0, v46  }
0x155: {  	v3 =	vsel vm1, v3, v36;
	v0 =	vsel vm9, v0, v46;
	v46 =	vsel vm10, v9, v18;
	v18 =	vld [tilespmem:$0x1FE40]  }
0x156: {  	v51 =	vld [tilespmem:$0x32A0];
	vm6 =	vgt.s32 v2, v42;
	vm1 =	vgt.s32 v3, v33  }
0x157: {  	v17 =	vld [tilespmem:$0x3890];
	v2 =	vsel vm6, v2, v42;
	v3 =	vsel vm1, v3, v33  }
0x158: {  	v16 =	vld [tilespmem:$0x3690];
	vm8 =	vgt.s32 v2, v35;
	vm1 =	vgt.s32 v3, v24  }
0x159: {  	v23 =	vld [tilespmem:$0x3A90];
	v2 =	vsel vm8, v2, v35;
	v35 =	vsel vm1, v3, v24  }
0x15a: {  	v21 =	vld [tilespmem:$0x3090];
	vm11 =	vgt.s32 v35, v18  }
0x15b: {  	[tilespmem:$0x1FFF0] =	vst v0;
	v0 =	vsel vm11, v35, v18;
	v35 =	vld [tilespmem:$0x1FE50]  }
0x15c: {  	v25 =	vld [tilespmem:$0x3290]  }
0x15d: {  	v12 =	vld [tilespmem:$0x2AA0]  }
0x15e: {  	v53 =	vld [tilespmem:$0x2EA0]  }
0x15f: {  	v41 =	vld [tilespmem:$0x36A0];
	vm12 =	vgt.s32 v28, v1  }
0x160: {  	v58 =	vld [tilespmem:$0x2CA0];
	v9 =	vsel vm12, v28, v1;
	vm13 =	vgt.s32 v46, v35  }
0x161: {  	vm1 =	vgt.s32 v9, v40;
	v28 =	vsel vm13, v46, v35;
	v46 =	vld [tilespmem:$0x1FE60]  }
0x162: {  	v35 =	vsel vm1, v9, v40;
	v9 =	vld [tilespmem:$0x1FE70]  }
0x163: {  	v11 =	vld [tilespmem:$0x30A0]  }
0x164: {  	v63 =	vld [tilespmem:$0x28A0]  }
0x165: {  	v44 =	vld [tilespmem:$0x34A0]  }
0x166: {  	v54 =	vld [tilespmem:$0x28B0]  }
0x167: {  	v57 =	vld [tilespmem:$0x2CB0];
	vm14 =	vgt.s32 v0, v46;
	vm15 =	vgt.s32 v28, v9  }
0x168: {  	v0 =	vsel vm14, v0, v46;
	v46 =	vsel vm15, v28, v9;
	v28 =	vld [tilespmem:$0x1FE80]  }
0x169: {  	v26 =	vld [tilespmem:$0x38A0]  }
0x16a: {  	v30 =	vld [tilespmem:$0x3AA0]  }
0x16b: {  	v62 =	vld [tilespmem:$0x2AB0]  }
0x16c: {  	v45 =	vld [tilespmem:$0x32B0]  }
0x16d: {  	v52 =	vld [tilespmem:$0x2EB0];
	vm1 =	vgt.s32 v35, v50;
	vm4 =	vgt.s32 v0, v28  }
0x16e: {  	vm7 =	vgt.s32 v15, v43;
	v40 =	vsel vm4, v0, v28;
	v0 =	vsel vm1, v35, v50;
	v35 =	vld [tilespmem:$0x1FE90]  }
0x16f: {  	v15 =	vsel vm7, v15, v43;
	v43 =	vld [tilespmem:$0x1FEA0];
	vm6 =	vgt.s32 v0, v47  }
0x170: {  	v0 =	vsel vm6, v0, v47;
	v47 =	vld [tilespmem:$0x1FED0]  }
0x171: {  	v48 =	vld [tilespmem:$0x30B0];
	vm1 =	vgt.s32 v15, v7;
	vm9 =	vgt.s32 v0, v59  }
0x172: {  	v0 =	vsel vm9, v0, v59;
	v59 =	vsel vm1, v15, v7;
	v7 =	vld [tilespmem:$0x1FEB0]  }
0x173: {  	v42 =	vld [tilespmem:$0x34B0];
	vm5 =	vgt.s32 v46, v35;
	vm11 =	vgt.s32 v0, v55;
	vm1 =	vgt.s32 v59, v38  }
0x174: {  	v35 =	vsel vm5, v46, v35;
	v55 =	vsel vm11, v0, v55;
	v38 =	vsel vm1, v59, v38;
	v59 =	vld [tilespmem:$0x1FEC0]  }
0x175: {  	v36 =	vld [tilespmem:$0x36B0];
	vm8 =	vgt.s32 v35, v43;
	vm13 =	vgt.s32 v55, v47  }
0x176: {  	v35 =	vsel vm8, v35, v43;
	v47 =	vsel vm13, v55, v47;
	v55 =	vld [tilespmem:$0x1FEE0]  }
0x177: {  	v33 =	vld [tilespmem:$0x38B0];
	vm10 =	vgt.s32 v35, v7  }
0x178: {  	[tilespmem:$0x1FFE0] =	vst v2;
	v2 =	vld [tilespmem:$0x2CD0];
	v35 =	vsel vm10, v35, v7  }
0x179: {  	v1 =	vld [tilespmem:$0x2AD0];
	vm12 =	vgt.s32 v35, v59  }
0x17a: {  	v24 =	vld [tilespmem:$0x3AB0];
	v35 =	vsel vm12, v35, v59  }
0x17b: {  	v3 =	vld [tilespmem:$0x2CC0];
	vm1 =	vgt.s32 v38, v29;
	vm14 =	vgt.s32 v35, v55  }
0x17c: {  	v29 =	vsel vm1, v38, v29;
	v38 =	vsel vm14, v35, v55;
	v35 =	vld [tilespmem:$0x1FEF0]  }
0x17d: {  	v18 =	vld [tilespmem:$0x2EC0]  }
0x17e: {  	v9 =	vld [tilespmem:$0x30C0]  }
0x17f: {  	v28 =	vld [tilespmem:$0x32C0]  }
0x180: {  	v50 =	vld [tilespmem:$0x34C0];
	vm6 =	vgt.s32 v27, v10  }
0x181: {  	v10 =	vsel vm6, v27, v10;
	v27 =	vld [tilespmem:$0x28E0];
	vm15 =	vgt.s32 v47, v35  }
0x182: {  	v0 =	vsel vm15, v47, v35;
	v47 =	vld [tilespmem:$0x1FF00]  }
0x183: {  	v15 =	vld [tilespmem:$0x3AC0];
	vm9 =	vgt.s32 v10, v22  }
0x184: {  	v10 =	vsel vm9, v10, v22;
	v22 =	vld [tilespmem:$0x1FF20]  }
0x185: {  	v46 =	vld [tilespmem:$0x36C0]  }
0x186: {  	v43 =	vld [tilespmem:$0x38C0];
	vm8 =	vgt.s32 v6, v14  }
0x187: {  	vm1 =	vgt.s32 v29, v31;
	v6 =	vsel vm8, v6, v14;
	v14 =	vld [tilespmem:$0x3AD0];
	vm4 =	vgt.s32 v38, v47  }
0x188: {  	v31 =	vsel vm1, v29, v31;
	v29 =	vsel vm4, v38, v47;
	v38 =	vld [tilespmem:$0x1FF10]  }
0x189: {  	v7 =	vld [tilespmem:$0x28D0]  }
0x18a: {  	v59 =	vld [tilespmem:$0x2ED0]  }
0x18b: {  	v55 =	vld [tilespmem:$0x30D0]  }
0x18c: {  	vm11 =	vgt.s32 v10, v19;
	v35 =	vld [tilespmem:$0x32D0]  }
0x18d: {  	v10 =	vsel vm11, v10, v19;
	vm1 =	vgt.s32 v31, v32;
	v47 =	vld [tilespmem:$0x34D0];
	vm5 =	vgt.s32 v0, v38  }
0x18e: {  	v38 =	vsel vm5, v0, v38;
	v0 =	vsel vm1, v31, v32;
	v32 =	vld [tilespmem:$0x36D0];
	vm1 =	vgt.s32 v6, v20  }
0x18f: {  	vm13 =	vgt.s32 v10, v34;
	v31 =	vld [tilespmem:$0x38D0];
	vm7 =	vgt.s32 v0, v37;
	v6 =	vsel vm1, v6, v20  }
0x190: {  	v10 =	vsel vm13, v10, v34;
	v0 =	vsel vm7, v0, v37;
	vm1 =	vgt.s32 v6, v13;
	v37 =	vld [tilespmem:$0x2CE0]  }
0x191: {  	vm4 =	vgt.s32 v10, v39;
	v19 =	vsel vm1, v6, v13;
	v13 =	vld [tilespmem:$0x30E0]  }
0x192: {  	vm10 =	vgt.s32 v0, v49;
	v6 =	vsel vm4, v10, v39;
	v10 =	vld [tilespmem:$0x34E0]  }
0x193: {  	v0 =	vsel vm10, v0, v49;
	v49 =	vld [tilespmem:$0x2AE0];
	vm6 =	vgt.s32 v6, v56  }
0x194: {  	vm12 =	vgt.s32 v0, v22;
	v39 =	vsel vm6, v6, v56;
	v6 =	vld [tilespmem:$0x38E0]  }
0x195: {  	vm15 =	vgt.s32 v63, v12;
	vm14 =	vgt.s32 v19, v21;
	v20 =	vsel vm12, v0, v22;
	v22 =	vld [tilespmem:$0x2EE0]  }
0x196: {  	v0 =	vsel vm14, v19, v21;
	v21 =	vsel vm15, v63, v12;
	v12 =	vld [tilespmem:$0x32E0]  }
0x197: {  	v19 =	vld [tilespmem:$0x36E0];
	vm1 =	vgt.s32 v21, v58  }
0x198: {  	v34 =	vsel vm1, v21, v58;
	v21 =	vld [tilespmem:$0x3AE0]  }
0x199: {  	vm8 =	vgt.s32 v39, v60;
	vm5 =	vgt.s32 v0, v25;
	v58 =	vld [tilespmem:$0x1FF30]  }
0x19a: {  	v0 =	vsel vm5, v0, v25;
	v25 =	vsel vm8, v39, v60;
	v39 =	vld [tilespmem:$0x2EF0];
	vm1 =	vgt.s32 v34, v53  }
0x19b: {  	vm10 =	vgt.s32 v25, v61;
	v53 =	vsel vm1, v34, v53;
	v34 =	vld [tilespmem:$0x28F0]  }
0x19c: {  	vm14 =	vgt.s32 v54, v62;
	v56 =	vsel vm10, v25, v61;
	v25 =	vld [tilespmem:$0x2CF0]  }
0x19d: {  	vm7 =	vgt.s32 v0, v8;
	v61 =	vsel vm14, v54, v62;
	v54 =	vld [tilespmem:$0x3500];
	vm1 =	vgt.s32 v53, v11  }
0x19e: {  	v0 =	vsel vm7, v0, v8;
	v8 =	vsel vm1, v53, v11;
	v11 =	vld [tilespmem:$0x2AF0]  }
0x19f: {  	vm9 =	vgt.s32 v0, v16;
	vm5 =	vgt.s32 v61, v57;
	v53 =	vld [tilespmem:$0x38F0]  }
0x1a0: {  	v0 =	vsel vm9, v0, v16;
	v62 =	vsel vm5, v61, v57;
	v57 =	vld [tilespmem:$0x2B10];
	vm1 =	vgt.s32 v8, v51  }
0x1a1: {  	vm11 =	vgt.s32 v0, v17;
	vm7 =	vgt.s32 v62, v52;
	v8 =	vsel vm1, v8, v51;
	v51 =	vld [tilespmem:$0x30F0]  }
0x1a2: {  	vm12 =	vgt.s32 v56, v58;
	v0 =	vsel vm11, v0, v17;
	v63 =	vsel vm7, v62, v52;
	v52 =	vld [tilespmem:$0x2900]  }
0x1a3: {  	vm4 =	vgt.s32 v5, v4;
	v16 =	vsel vm12, v56, v58;
	v58 =	vld [tilespmem:$0x2D10];
	vm13 =	vgt.s32 v0, v23  }
0x1a4: {  	v4 =	vsel vm4, v5, v4;
	vm1 =	vgt.s32 v8, v44;
	v17 =	vsel vm13, v0, v23;
	v23 =	vld [tilespmem:$0x32F0]  }
0x1a5: {  	vm9 =	vgt.s32 v63, v48;
	v60 =	vsel vm1, v8, v44;
	v44 =	vld [tilespmem:$0x34F0];
	vm1 =	vgt.s32 v4, v3  }
0x1a6: {  	vm15 =	vgt.s32 v60, v41;
	v3 =	vsel vm1, v4, v3;
	v4 =	vsel vm9, v63, v48;
	v48 =	vld [tilespmem:$0x2F00]  }
0x1a7: {  	vm11 =	vgt.s32 v7, v1;
	v0 =	vsel vm15, v60, v41;
	v41 =	vld [tilespmem:$0x36F0]  }
0x1a8: {  	v1 =	vsel vm11, v7, v1;
	vm11 =	vgt.s32 v34, v11;
	v60 =	vld [tilespmem:$0x2F10]  }
0x1a9: {  	vm12 =	vgt.s32 v4, v45;
	v11 =	vsel vm11, v34, v11;
	v34 =	vld [tilespmem:$0x3510]  }
0x1aa: {  	vm6 =	vgt.s32 v0, v26;
	v4 =	vsel vm12, v4, v45;
	v45 =	vld [tilespmem:$0x2F20]  }
0x1ab: {  	v0 =	vsel vm6, v0, v26;
	v26 =	vld [tilespmem:$0x3AF0];
	vm14 =	vgt.s32 v4, v42  }
0x1ac: {  	vm1 =	vgt.s32 v3, v18;
	vm8 =	vgt.s32 v0, v30;
	v4 =	vsel vm14, v4, v42;
	v42 =	vld [tilespmem:$0x3B00]  }
0x1ad: {  	v8 =	vsel vm8, v0, v30;
	v30 =	vsel vm1, v3, v18;
	v3 =	vld [tilespmem:$0x2B00]  }
0x1ae: {  	vm14 =	vgt.s32 v11, v25;
	v18 =	vld [tilespmem:$0x2D00]  }
0x1af: {  	vm1 =	vgt.s32 v1, v2;
	v11 =	vsel vm14, v11, v25;
	v25 =	vld [tilespmem:$0x3710]  }
0x1b0: {  	vm4 =	vgt.s32 v4, v36;
	v1 =	vsel vm1, v1, v2;
	v2 =	vld [tilespmem:$0x3300]  }
0x1b1: {  	vm10 =	vgt.s32 v30, v9;
	v4 =	vsel vm4, v4, v36;
	v36 =	vld [tilespmem:$0x3900]  }
0x1b2: {  	v0 =	vsel vm10, v30, v9;
	v9 =	vld [tilespmem:$0x3100]  }
0x1b3: {  	v30 =	vld [tilespmem:$0x3700];
	vm10 =	vgt.s32 v27, v49  }
0x1b4: {  	vm1 =	vgt.s32 v1, v59;
	v61 =	vsel vm10, v27, v49;
	v27 =	vld [tilespmem:$0x3110]  }
0x1b5: {  	vm6 =	vgt.s32 v4, v33;
	vm13 =	vgt.s32 v0, v28;
	v1 =	vsel vm1, v1, v59;
	v49 =	vld [tilespmem:$0x3720]  }
0x1b6: {  	v4 =	vsel vm6, v4, v33;
	v33 =	vld [tilespmem:$0x3B30];
	v0 =	vsel vm13, v0, v28;
	vm1 =	vgt.s32 v1, v55  }
0x1b7: {  	vm12 =	vgt.s32 v61, v37;
	vm15 =	vgt.s32 v0, v50;
	v1 =	vsel vm1, v1, v55;
	v55 =	vld [tilespmem:$0x2910]  }
0x1b8: {  	v5 =	vsel vm12, v61, v37;
	v37 =	vld [tilespmem:$0x2B20];
	v0 =	vsel vm15, v0, v50;
	vm1 =	vgt.s32 v1, v35  }
0x1b9: {  	v50 =	vld [tilespmem:$0x3920];
	vm5 =	vgt.s32 v0, v46;
	v35 =	vsel vm1, v1, v35  }
0x1ba: {  	v0 =	vsel vm5, v0, v46;
	vm1 =	vgt.s32 v35, v47;
	v46 =	vld [tilespmem:$0x3120]  }
0x1bb: {  	vm5 =	vgt.s32 v11, v39;
	v59 =	vsel vm1, v35, v47;
	v35 =	vld [tilespmem:$0x2920]  }
0x1bc: {  	vm15 =	vgt.s32 v5, v22;
	v62 =	vsel vm5, v11, v39;
	v39 =	vld [tilespmem:$0x2D20]  }
0x1bd: {  	vm8 =	vgt.s32 v4, v24;
	v22 =	vsel vm15, v5, v22;
	vm7 =	vgt.s32 v0, v43;
	v47 =	vld [tilespmem:$0x3320]  }
0x1be: {  	vm6 =	vgt.s32 v22, v13;
	v56 =	vsel vm7, v0, v43;
	vm1 =	vgt.s32 v59, v32;
	v43 =	vld [tilespmem:$0x2B50]  }
0x1bf: {  	v0 =	vsel vm8, v4, v24;
	vm7 =	vgt.s32 v52, v3;
	v4 =	vsel vm1, v59, v32;
	v32 =	vld [tilespmem:$0x3310]  }
0x1c0: {  	v63 =	vsel vm6, v22, v13;
	vm6 =	vgt.s32 v55, v57;
	v3 =	vsel vm7, v52, v3;
	v52 =	vld [tilespmem:$0x3B20]  }
0x1c1: {  	v55 =	vsel vm6, v55, v57;
	v57 =	vld [tilespmem:$0x2F30]  }
0x1c2: {  	vm8 =	vgt.s32 v63, v12;
	v59 =	vld [tilespmem:$0x3330]  }
0x1c3: {  	vm9 =	vgt.s32 v56, v15;
	v11 =	vsel vm8, v63, v12;
	v63 =	vld [tilespmem:$0x3930];
	vm13 =	vgt.s32 v4, v31  }
0x1c4: {  	v1 =	vsel vm9, v56, v15;
	vm1 =	vgt.s32 v3, v18;
	v56 =	vld [tilespmem:$0x2D30];
	v4 =	vsel vm13, v4, v31  }
0x1c5: {  	v31 =	vld [tilespmem:$0x3910];
	v3 =	vsel vm1, v3, v18;
	vm4 =	vgt.s32 v4, v14  }
0x1c6: {  	vm10 =	vgt.s32 v11, v10;
	vm1 =	vgt.s32 v3, v48;
	v5 =	vsel vm4, v4, v14;
	v14 =	vld [tilespmem:$0x3B10]  }
0x1c7: {  	vm0 =	vgt.s32 v62, v51;
	v10 =	vsel vm10, v11, v10;
	v3 =	vsel vm1, v3, v48;
	v48 =	vld [tilespmem:$0x3520]  }
0x1c8: {  	vm7 =	vgt.s32 v35, v37;
	v4 =	vsel vm0, v62, v51;
	v62 =	vld [tilespmem:$0x3730];
	vm1 =	vgt.s32 v3, v9  }
0x1c9: {  	v13 =	vsel vm7, v35, v37;
	v35 =	vld [tilespmem:$0x2940];
	vm9 =	vgt.s32 v4, v23;
	v3 =	vsel vm1, v3, v9  }
0x1ca: {  	v37 =	vld [tilespmem:$0x2B40];
	vm10 =	vgt.s32 v13, v39;
	v4 =	vsel vm9, v4, v23;
	vm1 =	vgt.s32 v3, v2  }
0x1cb: {  	v12 =	vsel vm10, v13, v39;
	v39 =	vld [tilespmem:$0x2D40];
	vm11 =	vgt.s32 v4, v44;
	v2 =	vsel vm1, v3, v2  }
0x1cc: {  	vm12 =	vgt.s32 v10, v19;
	v4 =	vsel vm11, v4, v44;
	v44 =	vld [tilespmem:$0x3140];
	vm1 =	vgt.s32 v2, v54  }
0x1cd: {  	v10 =	vsel vm12, v10, v19;
	vm13 =	vgt.s32 v4, v41;
	v2 =	vsel vm1, v2, v54;
	v54 =	vld [tilespmem:$0x2B30]  }
0x1ce: {  	vm14 =	vgt.s32 v10, v6;
	v4 =	vsel vm13, v4, v41;
	vm13 =	vgt.s32 v12, v45;
	v41 =	vld [tilespmem:$0x2F40]  }
0x1cf: {  	v6 =	vsel vm14, v10, v6;
	vm15 =	vgt.s32 v4, v53;
	v61 =	vsel vm13, v12, v45;
	v45 =	vld [tilespmem:$0x2D50]  }
0x1d0: {  	vm8 =	vgt.s32 v55, v58;
	vm4 =	vgt.s32 v6, v21;
	v51 =	vsel vm15, v4, v53;
	v53 =	vld [tilespmem:$0x2930]  }
0x1d1: {  	vm1 =	vgt.s32 v2, v30;
	v4 =	vsel vm4, v6, v21;
	v6 =	vsel vm8, v55, v58;
	v58 =	vld [tilespmem:$0x3130]  }
0x1d2: {  	v2 =	vsel vm1, v2, v30;
	v55 =	vld [tilespmem:$0x3550]  }
0x1d3: {  	v30 =	vld [tilespmem:$0x1FF90];
	vm9 =	vgt.s32 v2, v36;
	vm11 =	vgt.s32 v6, v60  }
0x1d4: {  	vm5 =	vgt.s32 v51, v26;
	v2 =	vsel vm9, v2, v36;
	v15 =	vsel vm11, v6, v60;
	v60 =	vld [tilespmem:$0x3530]  }
0x1d5: {  	v11 =	vsel vm5, v51, v26;
	v51 =	vld [tilespmem:$0x3150];
	vm12 =	vgt.s32 v2, v42  }
0x1d6: {  	vm0 =	vgt.s32 v61, v46;
	vm14 =	vgt.s32 v15, v27;
	v6 =	vsel vm12, v2, v42;
	v42 =	vld [tilespmem:$0x2950]  }
0x1d7: {  	v15 =	vsel vm14, v15, v27;
	v2 =	vsel vm0, v61, v46;
	v46 =	vld [tilespmem:$0x3340]  }
0x1d8: {  	vm14 =	vgt.s32 v35, v37;
	v61 =	vld [tilespmem:$0x1FF70];
	vm15 =	vgt.s32 v53, v54;
	vm4 =	vgt.s32 v15, v32  }
0x1d9: {  	vm5 =	vgt.s32 v2, v47;
	v21 =	vsel vm15, v53, v54;
	v15 =	vsel vm4, v15, v32;
	v53 =	vld [tilespmem:$0x3350]  }
0x1da: {  	v2 =	vsel vm5, v2, v47;
	v54 =	vld [tilespmem:$0x3940];
	vm1 =	vgt.s32 v21, v56;
	vm6 =	vgt.s32 v15, v34  }
0x1db: {  	v32 =	vld [tilespmem:$0x1FFA0];
	vm7 =	vgt.s32 v2, v48;
	v36 =	vsel vm1, v21, v56;
	v15 =	vsel vm6, v15, v34  }
0x1dc: {  	v2 =	vsel vm7, v2, v48;
	v48 =	vld [tilespmem:$0x2F50];
	vm1 =	vgt.s32 v36, v57;
	vm8 =	vgt.s32 v15, v25  }
0x1dd: {  	v56 =	vld [tilespmem:$0x1FF40];
	vm9 =	vgt.s32 v2, v49;
	vm15 =	vgt.s32 v42, v43;
	v7 =	vsel vm1, v36, v57  }
0x1de: {  	v34 =	vld [tilespmem:$0x1FFB0];
	v15 =	vsel vm8, v15, v25;
	v2 =	vsel vm9, v2, v49;
	vm1 =	vgt.s32 v7, v58  }
0x1df: {  	v49 =	vsel vm14, v35, v37;
	v9 =	vsel vm15, v42, v43;
	v57 =	vld [tilespmem:$0x1FF50];
	v7 =	vsel vm1, v7, v58  }
0x1e0: {  	v35 =	vld [tilespmem:$0x2970];
	vm10 =	vgt.s32 v15, v31;
	vm11 =	vgt.s32 v2, v50;
	vm1 =	vgt.s32 v7, v59  }
0x1e1: {  	v36 =	vld [tilespmem:$0x1FFC0];
	vm4 =	vgt.s32 v49, v39;
	vm6 =	vgt.s32 v9, v45;
	v7 =	vsel vm1, v7, v59  }
0x1e2: {  	v37 =	vld [tilespmem:$0x2B70];
	v15 =	vsel vm10, v15, v31;
	v2 =	vsel vm11, v2, v50;
	vm1 =	vgt.s32 v7, v60  }
0x1e3: {  	v42 =	vld [tilespmem:$0x1FFE0];
	v9 =	vsel vm6, v9, v45;
	vm12 =	vgt.s32 v15, v14;
	v47 =	vsel vm1, v7, v60  }
0x1e4: {  	v43 =	vld [tilespmem:$0x2D70];
	vm13 =	vgt.s32 v2, v52;
	vm9 =	vgt.s32 v9, v48;
	vm1 =	vgt.s32 v47, v62  }
0x1e5: {  	v13 =	vsel vm12, v15, v14;
	v15 =	vsel vm4, v49, v39;
	v59 =	vld [tilespmem:$0x1FF60];
	v3 =	vsel vm1, v47, v62  }
0x1e6: {  	v50 =	vld [tilespmem:$0x3540];
	v2 =	vsel vm13, v2, v52;
	vm7 =	vgt.s32 v15, v41;
	vm5 =	vgt.s32 v3, v63  }
0x1e7: {  	v15 =	vsel vm7, v15, v41;
	v7 =	vsel vm9, v9, v48;
	v3 =	vsel vm5, v3, v63;
	v63 =	vld [tilespmem:$0x1FF80]  }
0x1e8: {  	v31 =	vld [tilespmem:$0x2960];
	v19 =	vadd.s32 v56, v57;
	vm10 =	vgt.s32 v15, v44;
	vm11 =	vgt.s32 v7, v51  }
0x1e9: {  	v52 =	vld [tilespmem:$0x3740];
	v15 =	vsel vm10, v15, v44;
	v7 =	vsel vm11, v7, v51;
	vm11 =	vgt.s32 v35, v37  }
0x1ea: {  	v39 =	vld [tilespmem:$0x1FFD0];
	v19 =	vadd.s32 v59, v19;
	vm12 =	vgt.s32 v15, v46;
	vm13 =	vgt.s32 v7, v53  }
0x1eb: {  	v60 =	vld [tilespmem:$0x3750];
	v12 =	vsel vm11, v35, v37;
	v19 =	vadd.s32 v61, v19;
	v14 =	vsel vm12, v15, v46  }
0x1ec: {  	v62 =	vld [tilespmem:$0x3950];
	v7 =	vsel vm13, v7, v53;
	vm13 =	vgt.s32 v12, v43;
	v19 =	vadd.s32 v63, v19  }
0x1ed: {  	v44 =	vld [tilespmem:$0x1FFF0];
	vm8 =	vgt.s32 v3, v33;
	vm14 =	vgt.s32 v14, v50;
	v19 =	vadd.s32 v30, v19  }
0x1ee: {  	v46 =	vld [tilespmem:$0x2F70];
	vm15 =	vgt.s32 v7, v55;
	v12 =	vsel vm13, v12, v43;
	v19 =	vadd.s32 v32, v19  }
0x1ef: {  	v3 =	vsel vm8, v3, v33;
	v14 =	vsel vm14, v14, v50;
	v33 =	vld [tilespmem:$0x2B60];
	v19 =	vadd.s32 v34, v19  }
0x1f0: {  	v28 =	vld [tilespmem:$0x3B50];
	v7 =	vsel vm15, v7, v55;
	vm4 =	vgt.s32 v14, v52;
	v19 =	vadd.s32 v36, v19  }
0x1f1: {  	v41 =	vld [tilespmem:$0x2D60];
	vm5 =	vgt.s32 v7, v60;
	v14 =	vsel vm4, v14, v52;
	v19 =	vadd.s32 v39, v19  }
0x1f2: {  	v58 =	vld [tilespmem:$0x3B40];
	v7 =	vsel vm5, v7, v60;
	vm6 =	vgt.s32 v14, v54;
	v19 =	vadd.s32 v42, v19  }
0x1f3: {  	v45 =	vld [tilespmem:$0x2F60];
	vm7 =	vgt.s32 v7, v62;
	vm15 =	vgt.s32 v12, v46;
	v19 =	vadd.s32 v44, v19  }
0x1f4: {  	v48 =	vld [tilespmem:$0x3170];
	v14 =	vsel vm6, v14, v54;
	vm10 =	vgt.s32 v31, v33;
	v19 =	vadd.s32 v40, v19  }
0x1f5: {  	v47 =	vld [tilespmem:$0x3160];
	v7 =	vsel vm7, v7, v62;
	v9 =	vsel vm10, v31, v33;
	v19 =	vadd.s32 v29, v19  }
0x1f6: {  	v10 =	vsel vm15, v12, v46;
	vm12 =	vgt.s32 v9, v41;
	v19 =	vadd.s32 v38, v19  }
0x1f7: {  	v49 =	vld [tilespmem:$0x3360];
	vm8 =	vgt.s32 v14, v58;
	v9 =	vsel vm12, v9, v41;
	v19 =	vadd.s32 v20, v19  }
0x1f8: {  	v50 =	vld [tilespmem:$0x3370];
	vm9 =	vgt.s32 v7, v28;
	vm14 =	vgt.s32 v9, v45;
	v16 =	vadd.s32 v16, v19  }
0x1f9: {  	v51 =	vld [tilespmem:$0x3560];
	vm5 =	vgt.s32 v10, v48;
	v9 =	vsel vm14, v9, v45;
	v16 =	vadd.s32 v17, v16  }
0x1fa: {  	v52 =	vld [tilespmem:$0x3570];
	v14 =	vsel vm8, v14, v58;
	vm4 =	vgt.s32 v9, v47;
	v8 =	vadd.s32 v8, v16  }
0x1fb: {  	v54 =	vld [tilespmem:$0x3760];
	v7 =	vsel vm9, v7, v28;
	v53 =	vsel vm4, v9, v47;
	v0 =	vadd.s32 v0, v8  }
0x1fc: {  	v56 =	vld [tilespmem:$0x3770];
	v55 =	vsel vm5, v10, v48;
	vm6 =	vgt.s32 v53, v49;
	v0 =	vadd.s32 v1, v0  }
0x1fd: {  	v58 =	vld [tilespmem:$0x3960];
	vm7 =	vgt.s32 v55, v50;
	v57 =	vsel vm6, v53, v49;
	v0 =	vadd.s32 v5, v0  }
0x1fe: {  	v59 =	vld [tilespmem:$0x3970];
	vm8 =	vgt.s32 v57, v51;
	v1 =	vsel vm7, v55, v50;
	v0 =	vadd.s32 v4, v0  }
0x1ff: {  	v60 =	vld [tilespmem:$0x3B60];
	v5 =	vsel vm8, v57, v51;
	vm9 =	vgt.s32 v1, v52;
	v0 =	vadd.s32 v11, v0  }
0x200: {  	v61 =	vld [tilespmem:$0x3B70];
	v1 =	vsel vm9, v1, v52;
	vm10 =	vgt.s32 v5, v54;
	v0 =	vadd.s32 v6, v0  }
0x201: {  	v5 =	vsel vm10, v5, v54;
	vm11 =	vgt.s32 v1, v56;
	v0 =	vadd.s32 v13, v0  }
0x202: {  	v1 =	vsel vm11, v1, v56;
	vm12 =	vgt.s32 v5, v58;
	v0 =	vadd.s32 v2, v0  }
0x203: {  	v62 =	vsel vm12, v5, v58;
	vm13 =	vgt.s32 v1, v59;
	v0 =	vadd.s32 v3, v0  }
0x204: {  	v1 =	vsel vm13, v1, v59;
	vm14 =	vgt.s32 v62, v60;
	v0 =	vadd.s32 v14, v0  }
0x205: {  	v2 =	vsel vm14, v62, v60;
	vm15 =	vgt.s32 v1, v61;
	v0 =	vadd.s32 v7, v0  }
0x206: {  	v1 =	vsel vm15, v1, v61;
	v0 =	vadd.s32 v2, v0  }
0x207: {  	v0 =	vadd.s32 v1, v0  }
0x208: {  	(xrf0) =	vadd.scan.msk.s32 $0xffff, v0;
	_ =	sdelay $0x5  }
0x209: {  	v0, _, _ =	vpop (xrf0)  }
0x20a: {  	(v2sf) =	vpush v0, $0xF;
	_ =	sdelay $0xe  }
0x20b: {  	s2 =	spop (v2sf)  }
0x20c: {  	s2 =	scvt.s32.f32 s2;
	_ =	sdelay $0x1  }
0x20d: {  	s2 =	smul.f32 $9.999999740e-05, s2;
	_ =	sdelay $0x1  }
0x20e: {  	v63 =	vmov s2  }
0x20f: {  	v0 =	vadd.f32 $0.0e+00, v63;
	_ =	sdelay $0x1  }
0x210: {  	v0 =	vbroadcast v0, $0x0;
	_ =	sdelay $0x1  }
0x211: {  	s30 =	simm.s32 $0x0;
	s3 =	simm.s32 $0x3B80;
	s31 =	simm.s32 $0x2;
	[tilespmem:$0x3B80] =	vst v0  }
0x212: {  	[hbm4b:s1+s30] =	stream.linear.scatter [tilespmem:s3], [sflag:$0x2], $0x80, $0x38;
	[tilespmem:$0x3C00] =	vst v63  }
0x213: {  	_ =	swait.ge [sflag:s31], $0x80  }
0x214: {  	[sflag:s31] =	ssyncset.done $0x0  }
0x215: {  	[sflag:s31] =	ssyncadd.s32 $0xFFFFFF80  }
0x216: {  	_ =	sfence.sel $0x180000  }
0x217: {  	[bflag:$0x0] =	sbarrier.arrive $0xFFFF  }
0x218: {  	_ =	strace $0x90000047  }
0x219: {  	s0 =	sadd.s32 $0x100000, s0;
	[bflag:$0x2] =	sbarrier.arrive $0xFFFF  }
0x21a: {  	[sflag:s0] =	ssyncadd.tile.s32 $0x1;
	_ =	shalt  }
.Lfunc_end2:
_tile_overlayer_lowered:
.L_overlay_start_2:
0x21b: {  	(tag) =	ssettag $0x2  }
0x21c: {  	s0 =	rddreg [dreg:$0x0];
	s2 =	stileid.u32  }
0x21d: {  	s1 =	rddreg [dreg:$0x1];
	p0 =	sne.s32 s2, $0x0  }
0x21e: {  	s3 =	rddreg [dreg:$0x2];
	[bflag:$0x3] =	sbarrier.arrive $0xFFFF;
	s2 =	simm.s32 @!p0 $0x1C02  }
0x21f: {  	[timem:s3], [sflag:s2] =	dma.local @!p0 [hbm:s0], s1  }
0x220: {  	s0 =	simm.s32 @!p0 $0x2  }
0x221: {  	_ =	swait.ge @!p0 [sflag:s0], s1  }
0x222: {  	s1 =	ssub.s32 @!p0 $0x0, s1;
	[sflag:s0] =	ssyncset.done @!p0 $0x0  }
0x223: {  	[sflag:s0] =	ssyncadd.s32 @!p0 s1  }
0x224: {  	[bflag:$0x3] =	sbarrier.arrive $0xFFFF  }
0x225: {  	_ =	shalt  }

</sc_bundles>
